<compile_context>
chip_gen: v7x
topology: tpu7x:2x2x1
jax: 0.10.2.dev20260603
libtpu: 0.0.44.dev20260713+nightly
codegen_flags: <defaults>
</compile_context>

<pallas_src>
import functools

import jax
import jax.numpy as jnp
from jax import lax
from jax.experimental import pallas as pl
from jax.experimental.pallas import tpu as pltpu
from jax.experimental.pallas import tpu_sc as plsc

N_NODES = 50000
E = 1600000
E_SF = 400000
D_EDGE = 16

NC = 2
NS = 16
NW = NC * NS

CHUNK = 80
E_PER_W = E // NW
A_CHUNKS = E_PER_W // CHUNK
SF_PER_CORE = E_SF // NC
B_CHUNKS = 156
SF_MAIN = NS * B_CHUNKS * CHUNK

N_PAD = 50048
NODES_PER_TILE = N_PAD // NS


NBUF = 5


def _pipelined_scatter(h_idx1, h_idx2, h_rows, base, nlaps, nbuf, acc1, acc2,
                       idx1b, idx2b, rowsb, semr, sems, row_shift=0):

    def reads(lap, b):
        off = base + (lap * nbuf + b) * CHUNK
        pltpu.async_copy(h_idx1.at[pl.ds(off, CHUNK)], idx1b[b], semr[b])
        pltpu.async_copy(h_idx2.at[pl.ds(off, CHUNK)], idx2b[b], semr[b])
        pltpu.async_copy(h_rows.at[pl.ds(off - row_shift, CHUNK)], rowsb[b],
                         semr[b])

    def wait_reads(lap, b):
        off = base + (lap * nbuf + b) * CHUNK
        pltpu.make_async_copy(h_idx1.at[pl.ds(off, CHUNK)], idx1b[b],
                              semr[b]).wait()
        pltpu.make_async_copy(h_idx2.at[pl.ds(off, CHUNK)], idx2b[b],
                              semr[b]).wait()
        pltpu.make_async_copy(h_rows.at[pl.ds(off - row_shift, CHUNK)],
                              rowsb[b], semr[b]).wait()

    for b in range(nbuf):
        reads(0, b)

    def lap_body(lap, carry):
        for b in range(nbuf):
            wait_reads(lap, b)
            pltpu.async_copy(rowsb[b], acc1.at[idx1b[b]], sems[b], add=True)
            pltpu.async_copy(rowsb[b], acc2.at[idx2b[b]], sems[b], add=True)
        for b in range(nbuf):
            pltpu.make_async_copy(rowsb[b], acc1.at[idx1b[b]], sems[b]).wait()
            pltpu.make_async_copy(rowsb[b], acc2.at[idx2b[b]], sems[b]).wait()

            @pl.when(lap + 1 < nlaps)
            def _():
                reads(lap + 1, b)

        return carry

    lax.fori_loop(0, nlaps, lap_body, 0)


def _sc_a_body(part_start, per_tile, fut_hbm, past_hbm, eattr_hbm, init_hbm,
               out_hbm, *scratch):
    idx1b = scratch[0:NBUF]
    idx2b = scratch[NBUF:2 * NBUF]
    rowsb = scratch[2 * NBUF:3 * NBUF]
    acc_a, acc_b = scratch[3 * NBUF], scratch[3 * NBUF + 1]
    semr = scratch[3 * NBUF + 2:4 * NBUF + 2]
    sems = scratch[4 * NBUF + 2:5 * NBUF + 2]

    c = lax.axis_index("c")
    s = lax.axis_index("s")
    wid = s * NC + c
    nsl = pl.ds(s * NODES_PER_TILE, NODES_PER_TILE)

    pltpu.sync_copy(init_hbm.at[0, c, nsl], acc_a.at[nsl])
    pltpu.sync_copy(init_hbm.at[1, c, nsl], acc_b.at[nsl])
    plsc.subcore_barrier()

    _pipelined_scatter(fut_hbm, past_hbm, eattr_hbm,
                       part_start + wid * per_tile,
                       per_tile // CHUNK // NBUF, NBUF, acc_a, acc_b,
                       idx1b, idx2b, rowsb, semr, sems,
                       row_shift=part_start)
    plsc.subcore_barrier()
    pltpu.sync_copy(acc_a.at[nsl], out_hbm.at[0, c, nsl])
    pltpu.sync_copy(acc_b.at[nsl], out_hbm.at[1, c, nsl])


def _sc_b_body(early_hbm, later_hbm, sfattr_hbm, zeros_hbm, out_hbm,
               *scratch):
    idx1b = scratch[0:NBUF]
    idx2b = scratch[NBUF:2 * NBUF]
    rowsb = scratch[2 * NBUF:3 * NBUF]
    acc_a = scratch[3 * NBUF]
    semr = scratch[3 * NBUF + 1:4 * NBUF + 1]
    sems = scratch[4 * NBUF + 1:5 * NBUF + 1]

    c = lax.axis_index("c")
    s = lax.axis_index("s")
    nsl = pl.ds(s * NODES_PER_TILE, NODES_PER_TILE)

    pltpu.sync_copy(zeros_hbm.at[nsl], acc_a.at[nsl])
    plsc.subcore_barrier()

    base_sf = c * SF_PER_CORE + s * (B_CHUNKS * CHUNK)
    _pipelined_scatter(early_hbm, later_hbm, sfattr_hbm, base_sf,
                       B_CHUNKS // 4, 4, acc_a, acc_a,
                       idx1b, idx2b, rowsb, semr, sems)

    @pl.when(s < (SF_PER_CORE - SF_MAIN) // CHUNK)
    def _():
        off = c * SF_PER_CORE + SF_MAIN + s * CHUNK
        pltpu.sync_copy(early_hbm.at[pl.ds(off, CHUNK)], idx1b[0])
        pltpu.sync_copy(later_hbm.at[pl.ds(off, CHUNK)], idx2b[0])
        pltpu.sync_copy(sfattr_hbm.at[pl.ds(off, CHUNK)], rowsb[0])
        pltpu.sync_copy(rowsb[0], acc_a.at[idx1b[0]], add=True)
        pltpu.sync_copy(rowsb[0], acc_a.at[idx2b[0]], add=True)

    plsc.subcore_barrier()
    pltpu.sync_copy(acc_a.at[nsl], out_hbm.at[c, nsl])


def _sc_params():
    return dict(
        mesh=plsc.VectorSubcoreMesh(core_axis_name="c", subcore_axis_name="s"),
        compiler_params=pltpu.CompilerParams(use_tc_tiling_on_sc=False),
    )


def _sc_scratch(n_accs):
    return (
        [pltpu.VMEM((CHUNK,), jnp.int32) for _ in range(2 * NBUF)]
        + [pltpu.VMEM((CHUNK, D_EDGE), jnp.float32) for _ in range(NBUF)]
        + [pltpu.VMEM_SHARED((N_PAD, D_EDGE), jnp.float32)] * n_accs
        + [pltpu.SemaphoreType.DMA for _ in range(2 * NBUF)]
    )


@functools.partial(jax.jit, static_argnums=(0, 1))
def _sc_phase_a(part_start, per_tile, fut, past, eattr_part, init):
    body = functools.partial(_sc_a_body, part_start, per_tile)
    return pl.kernel(
        body,
        out_type=jax.ShapeDtypeStruct((2, NC, N_PAD, D_EDGE), jnp.float32),
        scratch_types=_sc_scratch(2),
        **_sc_params(),
    )(fut, past, eattr_part, init)


@jax.jit
def _sc_phase_b(early, later, sfattr, zeros):
    return pl.kernel(
        _sc_b_body,
        out_type=jax.ShapeDtypeStruct((NC, N_PAD, D_EDGE), jnp.float32),
        scratch_types=_sc_scratch(1),
        **_sc_params(),
    )(early, later, sfattr, zeros)


def _lin_body(x_ref, o_ref):
    x = x_ref[...]
    y = x.T
    z = y.reshape(y.shape[0] // 8, 8, 16)
    o_ref[...] = jnp.concatenate([z[:, j, :] for j in range(8)], axis=1)


def _linearize(xt, blk, start_blk=0, nblk=None):
    if nblk is None:
        nblk = xt.shape[1] // blk
    return pl.pallas_call(
        _lin_body,
        grid=(nblk,),
        in_specs=[pl.BlockSpec((16, blk), lambda i: (0, i + start_blk))],
        out_specs=pl.BlockSpec((blk // 8, 128), lambda i: (i, 0)),
        out_shape=jax.ShapeDtypeStruct((nblk * blk // 8, 128), jnp.float32),
    )(xt)


ROWS_BLK = 2000


def _mlp_body(pa_ref, pb_ref, w1_ref, b1_ref, w2_ref, b2_ref, o_ref):
    pa = pa_ref[...]
    pb = pb_ref[...]
    x = jnp.concatenate(
        [pa[0, 0] + pa[0, 1], pb[0] + pb[1], pa[1, 0] + pa[1, 1]], axis=1)
    h = jnp.maximum(
        jnp.dot(x, w1_ref[...], preferred_element_type=jnp.float32)
        + b1_ref[...], 0.0)
    o_ref[...] = (
        jnp.dot(h, w2_ref[...], preferred_element_type=jnp.float32)
        + b2_ref[...])


@jax.jit
def _mlp(pa, pb, W1, b1, W2, b2):
    n_blocks = N_NODES // ROWS_BLK
    d_hid = W1.shape[1]
    d_out = W2.shape[1]
    return pl.pallas_call(
        _mlp_body,
        grid=(n_blocks,),
        in_specs=[
            pl.BlockSpec((2, NC, ROWS_BLK, D_EDGE), lambda i: (0, 0, i, 0)),
            pl.BlockSpec((NC, ROWS_BLK, D_EDGE), lambda i: (0, i, 0)),
            pl.BlockSpec((W1.shape[0], d_hid), lambda i: (0, 0)),
            pl.BlockSpec((1, d_hid), lambda i: (0, 0)),
            pl.BlockSpec((d_hid, d_out), lambda i: (0, 0)),
            pl.BlockSpec((1, d_out), lambda i: (0, 0)),
        ],
        out_specs=pl.BlockSpec((ROWS_BLK, d_out), lambda i: (i, 0)),
        out_shape=jax.ShapeDtypeStruct((N_NODES, d_out), jnp.float32),
    )(pa, pb, W1, b1, W2, b2)


def kernel(edge_index, edge_attr, num_nodes, same_frame_edge_index,
           same_frame_edge_attr, W1, b1, W2, b2):
    del num_nodes
    ei = edge_index.astype(jnp.int32)
    sfi = same_frame_edge_index.astype(jnp.int32)
    zeros = jnp.zeros((N_PAD, D_EDGE), jnp.float32)
    eattr_lin = _linearize(edge_attr.T, 12800).reshape(E, D_EDGE)
    sfattr_lin = _linearize(same_frame_edge_attr.T, 3200).reshape(E_SF,
                                                                  D_EDGE)
    zeros_a = jnp.zeros((2, NC, N_PAD, D_EDGE), jnp.float32)
    pa = _sc_phase_a(0, E_PER_W, ei[1], ei[0], eattr_lin, zeros_a)
    pb = _sc_phase_b(sfi[0], sfi[1], sfattr_lin, zeros)
    return _mlp(pa, pb, W1, b1.reshape(1, -1), W2, b2.reshape(1, -1))

# --- scband reference (transcript-rebuilt; emitter-appended) ---
"""Pipeline reference for scband-initial-contextual-node-model-4587025072758 (READ-ONLY COPY).

The authoritative reference and input builder live on the scoring server;
editing this copy changes nothing except your own understanding.
"""

import jax, jax.numpy as jnp
import numpy as np

N_NODES = 50000
E = 1600000
E_SF = 400000
D_EDGE = 16
D_IN = 3 * D_EDGE
D_HID = 128
D_OUT = 128


def setup_inputs(seed: int = 0) -> dict:
    key = jax.random.key(seed)
    k1, k2, k3, k4, k5, k6 = jax.random.split(key, 6)
    edge_index = jax.random.randint(k1, (2, E), 0, N_NODES)
    edge_attr = jax.random.normal(k2, (E, D_EDGE), dtype=jnp.float32)
    same_frame_edge_index = jax.random.randint(k3, (2, E_SF), 0, N_NODES)
    same_frame_edge_attr = jax.random.normal(k4, (E_SF, D_EDGE), dtype=jnp.float32)
    W1 = jax.random.normal(k5, (D_IN, D_HID), dtype=jnp.float32) * (1.0 / np.sqrt(D_IN))
    b1 = jnp.zeros((D_HID,), dtype=jnp.float32)
    W2 = jax.random.normal(k6, (D_HID, D_OUT), dtype=jnp.float32) * (1.0 / np.sqrt(D_HID))
    b2 = jnp.zeros((D_OUT,), dtype=jnp.float32)
    return {
        "edge_index": edge_index,
        "edge_attr": edge_attr,
        "num_nodes": N_NODES,
        "same_frame_edge_index": same_frame_edge_index,
        "same_frame_edge_attr": same_frame_edge_attr,
        "W1": W1,
        "b1": b1,
        "W2": W2,
        "b2": b2,
    }


def reference(edge_index, edge_attr, num_nodes, same_frame_edge_index, same_frame_edge_attr, W1, b1, W2, b2):
    past_nodes = edge_index[0]
    future_nodes = edge_index[1]
    early_frame_nodes = same_frame_edge_index[0]
    later_frame_nodes = same_frame_edge_index[1]
    # agg_mode == 'sum' -> scatter-add / segment_sum
    flow_forward_aggregated = jax.ops.segment_sum(edge_attr, future_nodes, num_segments=N_NODES)
    flow_backward_aggregated = jax.ops.segment_sum(edge_attr, past_nodes, num_segments=N_NODES)
    sf_feats = jnp.vstack((same_frame_edge_attr, same_frame_edge_attr))
    sf_idx = jnp.concatenate((early_frame_nodes, later_frame_nodes))
    flow_frame_aggregated = jax.ops.segment_sum(sf_feats, sf_idx, num_segments=N_NODES)
    flow_total = jnp.concatenate(
        (flow_forward_aggregated, flow_frame_aggregated, flow_backward_aggregated), axis=1
    )
    # node_mlp: Linear(48,128) -> ReLU -> Linear(128,128)
    h = jax.nn.relu(flow_total @ W1 + b1)
    out = h @ W2 + b2
    out = out + jnp.asarray(num_nodes - num_nodes, dtype=out.dtype)
    return out

if __name__ == "__main__":
    import jax
    _d = setup_inputs()
    print(jax.jit(kernel)(*tuple(_d.values())))

</pallas_src>

<mosaic_0001>
#map = affine_map<(d0, d1) -> (0)>
#map1 = affine_map<(d0, d1) -> (0, 0)>
#map2 = affine_map<(d0, d1) -> (0, 0, 0, 0)>
module attributes {stable_mosaic.version = 14 : i64} {
  func.func @_sc_a_body(%arg0: i32, %arg1: i32, %arg2: memref<1600000xi32, #tpu.memory_space<hbm>>, %arg3: memref<1600000xi32, #tpu.memory_space<hbm>>, %arg4: memref<1600000x16xf32, #tpu.memory_space<hbm>>, %arg5: memref<2x2x50048x16xf32, #tpu.memory_space<hbm>>, %arg6: memref<2x2x50048x16xf32, #tpu.memory_space<hbm>>, %arg7: memref<80xi32, #tpu.memory_space<vmem>>, %arg8: memref<80xi32, #tpu.memory_space<vmem>>, %arg9: memref<80xi32, #tpu.memory_space<vmem>>, %arg10: memref<80xi32, #tpu.memory_space<vmem>>, %arg11: memref<80xi32, #tpu.memory_space<vmem>>, %arg12: memref<80xi32, #tpu.memory_space<vmem>>, %arg13: memref<80xi32, #tpu.memory_space<vmem>>, %arg14: memref<80xi32, #tpu.memory_space<vmem>>, %arg15: memref<80xi32, #tpu.memory_space<vmem>>, %arg16: memref<80xi32, #tpu.memory_space<vmem>>, %arg17: memref<80x16xf32, #tpu.memory_space<vmem>>, %arg18: memref<80x16xf32, #tpu.memory_space<vmem>>, %arg19: memref<80x16xf32, #tpu.memory_space<vmem>>, %arg20: memref<80x16xf32, #tpu.memory_space<vmem>>, %arg21: memref<80x16xf32, #tpu.memory_space<vmem>>, %arg22: memref<50048x16xf32, #tpu.memory_space<vmem_shared>>, %arg23: memref<50048x16xf32, #tpu.memory_space<vmem_shared>>, %arg24: memref<!tpu.dma_semaphore, #tpu.memory_space<semaphore_mem>>, %arg25: memref<!tpu.dma_semaphore, #tpu.memory_space<semaphore_mem>>, %arg26: memref<!tpu.dma_semaphore, #tpu.memory_space<semaphore_mem>>, %arg27: memref<!tpu.dma_semaphore, #tpu.memory_space<semaphore_mem>>, %arg28: memref<!tpu.dma_semaphore, #tpu.memory_space<semaphore_mem>>, %arg29: memref<!tpu.dma_semaphore, #tpu.memory_space<semaphore_mem>>, %arg30: memref<!tpu.dma_semaphore, #tpu.memory_space<semaphore_mem>>, %arg31: memref<!tpu.dma_semaphore, #tpu.memory_space<semaphore_mem>>, %arg32: memref<!tpu.dma_semaphore, #tpu.memory_space<semaphore_mem>>, %arg33: memref<!tpu.dma_semaphore, #tpu.memory_space<semaphore_mem>>) attributes {dimension_semantics = [#tpu.dimension_semantics<core_parallel>, #tpu.dimension_semantics<subcore_parallel>], iteration_bounds = array<i64: 2, 16>, scalar_prefetch = 0 : i64, scratch_operands = 27 : i64, tpu.core_type = #tpu.core_type<sc_vector_subcore>, window_params = [{transform_indices = #map}, {transform_indices = #map}, {transform_indices = #map1}, {transform_indices = #map2}, {transform_indices = #map2}]} {
    %mul3A = arith.constant 2 : i32
    %mul3A_0 = arith.muli %arg1, %mul3A : i32
    %add3A = arith.addi %mul3A_0, %arg0 : i32
    %mul3A_1 = arith.constant 3128 : i32
    %mul3A_2 = arith.muli %arg1, %mul3A_1 : i32
    %run_scoped3A = arith.constant 0 : i32
    "tpu.region"() ({
      %run_scoped3A_74 = tpu.sem_alloc : memref<!tpu.dma_semaphore, #tpu.memory_space<semaphore_mem>>
      %dma_start3A_75 = arith.constant 0 : i32
      %dma_start3A_76 = tpu.memref_slice %arg22[%mul3A_2, %dma_start3A_75] : memref<50048x16xf32, #tpu.memory_space<vmem_shared>> -> memref<3128x16xf32, #tpu.memory_space<vmem_shared>>
      %dma_start3A_77 = arith.constant 0 : i32
      %dma_start3A_78 = tpu.memref_slice %arg5[%run_scoped3A, %arg0, %mul3A_2, %dma_start3A_77] : memref<2x2x50048x16xf32, #tpu.memory_space<hbm>> -> memref<1x1x3128x16xf32, #tpu.memory_space<hbm>>
      %dma_start3A_79 = tpu.memref_squeeze %dma_start3A_78 : memref<1x1x3128x16xf32, #tpu.memory_space<hbm>> -> memref<3128x16xf32, #tpu.memory_space<hbm>>
      tpu.enqueue_dma source(%dma_start3A_79 : memref<3128x16xf32, #tpu.memory_space<hbm>>) target(%dma_start3A_76 : memref<3128x16xf32, #tpu.memory_space<vmem_shared>>) target_semaphore(%run_scoped3A_74 : memref<!tpu.dma_semaphore, #tpu.memory_space<semaphore_mem>>)
      %dma_wait3A = arith.constant 0 : i32
      %dma_wait3A_80 = tpu.memref_slice %arg22[%mul3A_2, %dma_wait3A] : memref<50048x16xf32, #tpu.memory_space<vmem_shared>> -> memref<3128x16xf32, #tpu.memory_space<vmem_shared>>
      %dma_wait3A_81 = arith.constant 0 : i32
      %dma_wait3A_82 = tpu.memref_slice %arg5[%run_scoped3A, %arg0, %mul3A_2, %dma_wait3A_81] : memref<2x2x50048x16xf32, #tpu.memory_space<hbm>> -> memref<1x1x3128x16xf32, #tpu.memory_space<hbm>>
      %dma_wait3A_83 = tpu.memref_squeeze %dma_wait3A_82 : memref<1x1x3128x16xf32, #tpu.memory_space<hbm>> -> memref<3128x16xf32, #tpu.memory_space<hbm>>
      tpu.wait_dma2 semaphore(%run_scoped3A_74 : memref<!tpu.dma_semaphore, #tpu.memory_space<semaphore_mem>>) src(%dma_wait3A_83 : memref<3128x16xf32, #tpu.memory_space<hbm>>) dst(%dma_wait3A_80 : memref<3128x16xf32, #tpu.memory_space<vmem_shared>>)
      tpu.yield
    }) : () -> ()
    %run_scoped3A_3 = arith.constant 1 : i32
    "tpu.region"() ({
      %run_scoped3A_74 = tpu.sem_alloc : memref<!tpu.dma_semaphore, #tpu.memory_space<semaphore_mem>>
      %dma_start3A_75 = arith.constant 0 : i32
      %dma_start3A_76 = tpu.memref_slice %arg23[%mul3A_2, %dma_start3A_75] : memref<50048x16xf32, #tpu.memory_space<vmem_shared>> -> memref<3128x16xf32, #tpu.memory_space<vmem_shared>>
      %dma_start3A_77 = arith.constant 0 : i32
      %dma_start3A_78 = tpu.memref_slice %arg5[%run_scoped3A_3, %arg0, %mul3A_2, %dma_start3A_77] : memref<2x2x50048x16xf32, #tpu.memory_space<hbm>> -> memref<1x1x3128x16xf32, #tpu.memory_space<hbm>>
      %dma_start3A_79 = tpu.memref_squeeze %dma_start3A_78 : memref<1x1x3128x16xf32, #tpu.memory_space<hbm>> -> memref<3128x16xf32, #tpu.memory_space<hbm>>
      tpu.enqueue_dma source(%dma_start3A_79 : memref<3128x16xf32, #tpu.memory_space<hbm>>) target(%dma_start3A_76 : memref<3128x16xf32, #tpu.memory_space<vmem_shared>>) target_semaphore(%run_scoped3A_74 : memref<!tpu.dma_semaphore, #tpu.memory_space<semaphore_mem>>)
      %dma_wait3A = arith.constant 0 : i32
      %dma_wait3A_80 = tpu.memref_slice %arg23[%mul3A_2, %dma_wait3A] : memref<50048x16xf32, #tpu.memory_space<vmem_shared>> -> memref<3128x16xf32, #tpu.memory_space<vmem_shared>>
      %dma_wait3A_81 = arith.constant 0 : i32
      %dma_wait3A_82 = tpu.memref_slice %arg5[%run_scoped3A_3, %arg0, %mul3A_2, %dma_wait3A_81] : memref<2x2x50048x16xf32, #tpu.memory_space<hbm>> -> memref<1x1x3128x16xf32, #tpu.memory_space<hbm>>
      %dma_wait3A_83 = tpu.memref_squeeze %dma_wait3A_82 : memref<1x1x3128x16xf32, #tpu.memory_space<hbm>> -> memref<3128x16xf32, #tpu.memory_space<hbm>>
      tpu.wait_dma2 semaphore(%run_scoped3A_74 : memref<!tpu.dma_semaphore, #tpu.memory_space<semaphore_mem>>) src(%dma_wait3A_83 : memref<3128x16xf32, #tpu.memory_space<hbm>>) dst(%dma_wait3A_80 : memref<3128x16xf32, #tpu.memory_space<vmem_shared>>)
      tpu.yield
    }) : () -> ()
    %barrier3A = arith.constant 0 : index
    tpu.barrier barrier_id(%barrier3A)
    %mul3A_4 = arith.constant 50000 : i32
    %mul3A_5 = arith.muli %add3A, %mul3A_4 : i32
    %add3A_6 = arith.constant 0 : i32
    %add3A_7 = arith.addi %add3A_6, %mul3A_5 : i32
    %add3A_8 = arith.constant 0 : i32
    %add3A_9 = arith.addi %add3A_7, %add3A_8 : i32
    %dma_start3A = tpu.memref_slice %arg2[%add3A_9] : memref<1600000xi32, #tpu.memory_space<hbm>> -> memref<80xi32, #tpu.memory_space<hbm>>
    %dma_start3A_10 = tpu.memref_slice %arg2[%add3A_9] : memref<1600000xi32, #tpu.memory_space<hbm>> -> memref<80xi32, #tpu.memory_space<hbm>>
    tpu.enqueue_dma source(%dma_start3A_10 : memref<80xi32, #tpu.memory_space<hbm>>) target(%arg7 : memref<80xi32, #tpu.memory_space<vmem>>) target_semaphore(%arg24 : memref<!tpu.dma_semaphore, #tpu.memory_space<semaphore_mem>>)
    %dma_start3A_11 = tpu.memref_slice %arg3[%add3A_9] : memref<1600000xi32, #tpu.memory_space<hbm>> -> memref<80xi32, #tpu.memory_space<hbm>>
    %dma_start3A_12 = tpu.memref_slice %arg3[%add3A_9] : memref<1600000xi32, #tpu.memory_space<hbm>> -> memref<80xi32, #tpu.memory_space<hbm>>
    tpu.enqueue_dma source(%dma_start3A_12 : memref<80xi32, #tpu.memory_space<hbm>>) target(%arg12 : memref<80xi32, #tpu.memory_space<vmem>>) target_semaphore(%arg24 : memref<!tpu.dma_semaphore, #tpu.memory_space<semaphore_mem>>)
    %sub3A = arith.constant 0 : i32
    %sub3A_13 = arith.subi %add3A_9, %sub3A : i32
    %dma_start3A_14 = arith.constant 0 : i32
    %dma_start3A_15 = tpu.memref_slice %arg4[%sub3A_13, %dma_start3A_14] : memref<1600000x16xf32, #tpu.memory_space<hbm>> -> memref<80x16xf32, #tpu.memory_space<hbm>>
    %dma_start3A_16 = arith.constant 0 : i32
    %dma_start3A_17 = tpu.memref_slice %arg4[%sub3A_13, %dma_start3A_16] : memref<1600000x16xf32, #tpu.memory_space<hbm>> -> memref<80x16xf32, #tpu.memory_space<hbm>>
    tpu.enqueue_dma source(%dma_start3A_17 : memref<80x16xf32, #tpu.memory_space<hbm>>) target(%arg17 : memref<80x16xf32, #tpu.memory_space<vmem>>) target_semaphore(%arg24 : memref<!tpu.dma_semaphore, #tpu.memory_space<semaphore_mem>>)
    %add3A_18 = arith.constant 80 : i32
    %add3A_19 = arith.addi %add3A_7, %add3A_18 : i32
    %dma_start3A_20 = tpu.memref_slice %arg2[%add3A_19] : memref<1600000xi32, #tpu.memory_space<hbm>> -> memref<80xi32, #tpu.memory_space<hbm>>
    %dma_start3A_21 = tpu.memref_slice %arg2[%add3A_19] : memref<1600000xi32, #tpu.memory_space<hbm>> -> memref<80xi32, #tpu.memory_space<hbm>>
    tpu.enqueue_dma source(%dma_start3A_21 : memref<80xi32, #tpu.memory_space<hbm>>) target(%arg8 : memref<80xi32, #tpu.memory_space<vmem>>) target_semaphore(%arg25 : memref<!tpu.dma_semaphore, #tpu.memory_space<semaphore_mem>>)
    %dma_start3A_22 = tpu.memref_slice %arg3[%add3A_19] : memref<1600000xi32, #tpu.memory_space<hbm>> -> memref<80xi32, #tpu.memory_space<hbm>>
    %dma_start3A_23 = tpu.memref_slice %arg3[%add3A_19] : memref<1600000xi32, #tpu.memory_space<hbm>> -> memref<80xi32, #tpu.memory_space<hbm>>
    tpu.enqueue_dma source(%dma_start3A_23 : memref<80xi32, #tpu.memory_space<hbm>>) target(%arg13 : memref<80xi32, #tpu.memory_space<vmem>>) target_semaphore(%arg25 : memref<!tpu.dma_semaphore, #tpu.memory_space<semaphore_mem>>)
    %sub3A_24 = arith.constant 0 : i32
    %sub3A_25 = arith.subi %add3A_19, %sub3A_24 : i32
    %dma_start3A_26 = arith.constant 0 : i32
    %dma_start3A_27 = tpu.memref_slice %arg4[%sub3A_25, %dma_start3A_26] : memref<1600000x16xf32, #tpu.memory_space<hbm>> -> memref<80x16xf32, #tpu.memory_space<hbm>>
    %dma_start3A_28 = arith.constant 0 : i32
    %dma_start3A_29 = tpu.memref_slice %arg4[%sub3A_25, %dma_start3A_28] : memref<1600000x16xf32, #tpu.memory_space<hbm>> -> memref<80x16xf32, #tpu.memory_space<hbm>>
    tpu.enqueue_dma source(%dma_start3A_29 : memref<80x16xf32, #tpu.memory_space<hbm>>) target(%arg18 : memref<80x16xf32, #tpu.memory_space<vmem>>) target_semaphore(%arg25 : memref<!tpu.dma_semaphore, #tpu.memory_space<semaphore_mem>>)
    %add3A_30 = arith.constant 160 : i32
    %add3A_31 = arith.addi %add3A_7, %add3A_30 : i32
    %dma_start3A_32 = tpu.memref_slice %arg2[%add3A_31] : memref<1600000xi32, #tpu.memory_space<hbm>> -> memref<80xi32, #tpu.memory_space<hbm>>
    %dma_start3A_33 = tpu.memref_slice %arg2[%add3A_31] : memref<1600000xi32, #tpu.memory_space<hbm>> -> memref<80xi32, #tpu.memory_space<hbm>>
    tpu.enqueue_dma source(%dma_start3A_33 : memref<80xi32, #tpu.memory_space<hbm>>) target(%arg9 : memref<80xi32, #tpu.memory_space<vmem>>) target_semaphore(%arg26 : memref<!tpu.dma_semaphore, #tpu.memory_space<semaphore_mem>>)
    %dma_start3A_34 = tpu.memref_slice %arg3[%add3A_31] : memref<1600000xi32, #tpu.memory_space<hbm>> -> memref<80xi32, #tpu.memory_space<hbm>>
    %dma_start3A_35 = tpu.memref_slice %arg3[%add3A_31] : memref<1600000xi32, #tpu.memory_space<hbm>> -> memref<80xi32, #tpu.memory_space<hbm>>
    tpu.enqueue_dma source(%dma_start3A_35 : memref<80xi32, #tpu.memory_space<hbm>>) target(%arg14 : memref<80xi32, #tpu.memory_space<vmem>>) target_semaphore(%arg26 : memref<!tpu.dma_semaphore, #tpu.memory_space<semaphore_mem>>)
    %sub3A_36 = arith.constant 0 : i32
    %sub3A_37 = arith.subi %add3A_31, %sub3A_36 : i32
    %dma_start3A_38 = arith.constant 0 : i32
    %dma_start3A_39 = tpu.memref_slice %arg4[%sub3A_37, %dma_start3A_38] : memref<1600000x16xf32, #tpu.memory_space<hbm>> -> memref<80x16xf32, #tpu.memory_space<hbm>>
    %dma_start3A_40 = arith.constant 0 : i32
    %dma_start3A_41 = tpu.memref_slice %arg4[%sub3A_37, %dma_start3A_40] : memref<1600000x16xf32, #tpu.memory_space<hbm>> -> memref<80x16xf32, #tpu.memory_space<hbm>>
    tpu.enqueue_dma source(%dma_start3A_41 : memref<80x16xf32, #tpu.memory_space<hbm>>) target(%arg19 : memref<80x16xf32, #tpu.memory_space<vmem>>) target_semaphore(%arg26 : memref<!tpu.dma_semaphore, #tpu.memory_space<semaphore_mem>>)
    %add3A_42 = arith.constant 240 : i32
    %add3A_43 = arith.addi %add3A_7, %add3A_42 : i32
    %dma_start3A_44 = tpu.memref_slice %arg2[%add3A_43] : memref<1600000xi32, #tpu.memory_space<hbm>> -> memref<80xi32, #tpu.memory_space<hbm>>
    %dma_start3A_45 = tpu.memref_slice %arg2[%add3A_43] : memref<1600000xi32, #tpu.memory_space<hbm>> -> memref<80xi32, #tpu.memory_space<hbm>>
    tpu.enqueue_dma source(%dma_start3A_45 : memref<80xi32, #tpu.memory_space<hbm>>) target(%arg10 : memref<80xi32, #tpu.memory_space<vmem>>) target_semaphore(%arg27 : memref<!tpu.dma_semaphore, #tpu.memory_space<semaphore_mem>>)
    %dma_start3A_46 = tpu.memref_slice %arg3[%add3A_43] : memref<1600000xi32, #tpu.memory_space<hbm>> -> memref<80xi32, #tpu.memory_space<hbm>>
    %dma_start3A_47 = tpu.memref_slice %arg3[%add3A_43] : memref<1600000xi32, #tpu.memory_space<hbm>> -> memref<80xi32, #tpu.memory_space<hbm>>
    tpu.enqueue_dma source(%dma_start3A_47 : memref<80xi32, #tpu.memory_space<hbm>>) target(%arg15 : memref<80xi32, #tpu.memory_space<vmem>>) target_semaphore(%arg27 : memref<!tpu.dma_semaphore, #tpu.memory_space<semaphore_mem>>)
    %sub3A_48 = arith.constant 0 : i32
    %sub3A_49 = arith.subi %add3A_43, %sub3A_48 : i32
    %dma_start3A_50 = arith.constant 0 : i32
    %dma_start3A_51 = tpu.memref_slice %arg4[%sub3A_49, %dma_start3A_50] : memref<1600000x16xf32, #tpu.memory_space<hbm>> -> memref<80x16xf32, #tpu.memory_space<hbm>>
    %dma_start3A_52 = arith.constant 0 : i32
    %dma_start3A_53 = tpu.memref_slice %arg4[%sub3A_49, %dma_start3A_52] : memref<1600000x16xf32, #tpu.memory_space<hbm>> -> memref<80x16xf32, #tpu.memory_space<hbm>>
    tpu.enqueue_dma source(%dma_start3A_53 : memref<80x16xf32, #tpu.memory_space<hbm>>) target(%arg20 : memref<80x16xf32, #tpu.memory_space<vmem>>) target_semaphore(%arg27 : memref<!tpu.dma_semaphore, #tpu.memory_space<semaphore_mem>>)
    %add3A_54 = arith.constant 320 : i32
    %add3A_55 = arith.addi %add3A_7, %add3A_54 : i32
    %dma_start3A_56 = tpu.memref_slice %arg2[%add3A_55] : memref<1600000xi32, #tpu.memory_space<hbm>> -> memref<80xi32, #tpu.memory_space<hbm>>
    %dma_start3A_57 = tpu.memref_slice %arg2[%add3A_55] : memref<1600000xi32, #tpu.memory_space<hbm>> -> memref<80xi32, #tpu.memory_space<hbm>>
    tpu.enqueue_dma source(%dma_start3A_57 : memref<80xi32, #tpu.memory_space<hbm>>) target(%arg11 : memref<80xi32, #tpu.memory_space<vmem>>) target_semaphore(%arg28 : memref<!tpu.dma_semaphore, #tpu.memory_space<semaphore_mem>>)
    %dma_start3A_58 = tpu.memref_slice %arg3[%add3A_55] : memref<1600000xi32, #tpu.memory_space<hbm>> -> memref<80xi32, #tpu.memory_space<hbm>>
    %dma_start3A_59 = tpu.memref_slice %arg3[%add3A_55] : memref<1600000xi32, #tpu.memory_space<hbm>> -> memref<80xi32, #tpu.memory_space<hbm>>
    tpu.enqueue_dma source(%dma_start3A_59 : memref<80xi32, #tpu.memory_space<hbm>>) target(%arg16 : memref<80xi32, #tpu.memory_space<vmem>>) target_semaphore(%arg28 : memref<!tpu.dma_semaphore, #tpu.memory_space<semaphore_mem>>)
    %sub3A_60 = arith.constant 0 : i32
    %sub3A_61 = arith.subi %add3A_55, %sub3A_60 : i32
    %dma_start3A_62 = arith.constant 0 : i32
    %dma_start3A_63 = tpu.memref_slice %arg4[%sub3A_61, %dma_start3A_62] : memref<1600000x16xf32, #tpu.memory_space<hbm>> -> memref<80x16xf32, #tpu.memory_space<hbm>>
    %dma_start3A_64 = arith.constant 0 : i32
    %dma_start3A_65 = tpu.memref_slice %arg4[%sub3A_61, %dma_start3A_64] : memref<1600000x16xf32, #tpu.memory_space<hbm>> -> memref<80x16xf32, #tpu.memory_space<hbm>>
    tpu.enqueue_dma source(%dma_start3A_65 : memref<80x16xf32, #tpu.memory_space<hbm>>) target(%arg21 : memref<80x16xf32, #tpu.memory_space<vmem>>) target_semaphore(%arg28 : memref<!tpu.dma_semaphore, #tpu.memory_space<semaphore_mem>>)
    %scan3A = arith.constant 0 : i32
    %scan3A_66 = arith.constant 0 : i32
    %scan3A_67 = arith.constant 125 : i32
    %scan3A_68 = arith.addi %scan3A_66, %scan3A_67 : i32
    %scan3A_69 = arith.constant 1 : i32
    scf.for %scan3A_74 = %scan3A_66 to %scan3A_68 step %scan3A_69  : i32 {
      %mul3A_75 = arith.constant 5 : i32
      %mul3A_76 = arith.muli %scan3A_74, %mul3A_75 : i32
      %add3A_77 = arith.constant 0 : i32
      %add3A_78 = arith.addi %mul3A_76, %add3A_77 : i32
      %mul3A_79 = arith.constant 80 : i32
      %mul3A_80 = arith.muli %add3A_78, %mul3A_79 : i32
      %add3A_81 = arith.addi %add3A_7, %mul3A_80 : i32
      %dma_wait3A = tpu.memref_slice %arg2[%add3A_81] : memref<1600000xi32, #tpu.memory_space<hbm>> -> memref<80xi32, #tpu.memory_space<hbm>>
      %dma_wait3A_82 = tpu.memref_slice %arg2[%add3A_81] : memref<1600000xi32, #tpu.memory_space<hbm>> -> memref<80xi32, #tpu.memory_space<hbm>>
      tpu.wait_dma2 semaphore(%arg24 : memref<!tpu.dma_semaphore, #tpu.memory_space<semaphore_mem>>) src(%dma_wait3A_82 : memref<80xi32, #tpu.memory_space<hbm>>) dst(%arg7 : memref<80xi32, #tpu.memory_space<vmem>>)
      %dma_wait3A_83 = tpu.memref_slice %arg3[%add3A_81] : memref<1600000xi32, #tpu.memory_space<hbm>> -> memref<80xi32, #tpu.memory_space<hbm>>
      %dma_wait3A_84 = tpu.memref_slice %arg3[%add3A_81] : memref<1600000xi32, #tpu.memory_space<hbm>> -> memref<80xi32, #tpu.memory_space<hbm>>
      tpu.wait_dma2 semaphore(%arg24 : memref<!tpu.dma_semaphore, #tpu.memory_space<semaphore_mem>>) src(%dma_wait3A_84 : memref<80xi32, #tpu.memory_space<hbm>>) dst(%arg12 : memref<80xi32, #tpu.memory_space<vmem>>)
      %sub3A_85 = arith.constant 0 : i32
      %sub3A_86 = arith.subi %add3A_81, %sub3A_85 : i32
      %dma_wait3A_87 = arith.constant 0 : i32
      %dma_wait3A_88 = tpu.memref_slice %arg4[%sub3A_86, %dma_wait3A_87] : memref<1600000x16xf32, #tpu.memory_space<hbm>> -> memref<80x16xf32, #tpu.memory_space<hbm>>
      %dma_wait3A_89 = arith.constant 0 : i32
      %dma_wait3A_90 = tpu.memref_slice %arg4[%sub3A_86, %dma_wait3A_89] : memref<1600000x16xf32, #tpu.memory_space<hbm>> -> memref<80x16xf32, #tpu.memory_space<hbm>>
      tpu.wait_dma2 semaphore(%arg24 : memref<!tpu.dma_semaphore, #tpu.memory_space<semaphore_mem>>) src(%dma_wait3A_90 : memref<80x16xf32, #tpu.memory_space<hbm>>) dst(%arg17 : memref<80x16xf32, #tpu.memory_space<vmem>>)
      %dma_start3A_91 = arith.constant 0 : i32
      %dma_start3A_92 = arith.constant 0 : i32
      %dma_start3A_93 = tpu.memref_slice %arg22[%dma_start3A_91, %dma_start3A_92] : memref<50048x16xf32, #tpu.memory_space<vmem_shared>> -> memref<50048x16xf32, #tpu.memory_space<vmem_shared>>
      tpu.enqueue_indirect_dma source(%arg17 : memref<80x16xf32, #tpu.memory_space<vmem>>) target(%dma_start3A_93 : memref<50048x16xf32, #tpu.memory_space<vmem_shared>>) offsets(%arg7 : memref<80xi32, #tpu.memory_space<vmem>>) semaphore(%arg29 : memref<!tpu.dma_semaphore, #tpu.memory_space<semaphore_mem>>) {add = true}
      %dma_start3A_94 = arith.constant 0 : i32
      %dma_start3A_95 = arith.constant 0 : i32
      %dma_start3A_96 = tpu.memref_slice %arg23[%dma_start3A_94, %dma_start3A_95] : memref<50048x16xf32, #tpu.memory_space<vmem_shared>> -> memref<50048x16xf32, #tpu.memory_space<vmem_shared>>
      tpu.enqueue_indirect_dma source(%arg17 : memref<80x16xf32, #tpu.memory_space<vmem>>) target(%dma_start3A_96 : memref<50048x16xf32, #tpu.memory_space<vmem_shared>>) offsets(%arg12 : memref<80xi32, #tpu.memory_space<vmem>>) semaphore(%arg29 : memref<!tpu.dma_semaphore, #tpu.memory_space<semaphore_mem>>) {add = true}
      %mul3A_97 = arith.constant 5 : i32
      %mul3A_98 = arith.muli %scan3A_74, %mul3A_97 : i32
      %add3A_99 = arith.constant 1 : i32
      %add3A_100 = arith.addi %mul3A_98, %add3A_99 : i32
      %mul3A_101 = arith.constant 80 : i32
      %mul3A_102 = arith.muli %add3A_100, %mul3A_101 : i32
      %add3A_103 = arith.addi %add3A_7, %mul3A_102 : i32
      %dma_wait3A_104 = tpu.memref_slice %arg2[%add3A_103] : memref<1600000xi32, #tpu.memory_space<hbm>> -> memref<80xi32, #tpu.memory_space<hbm>>
      %dma_wait3A_105 = tpu.memref_slice %arg2[%add3A_103] : memref<1600000xi32, #tpu.memory_space<hbm>> -> memref<80xi32, #tpu.memory_space<hbm>>
      tpu.wait_dma2 semaphore(%arg25 : memref<!tpu.dma_semaphore, #tpu.memory_space<semaphore_mem>>) src(%dma_wait3A_105 : memref<80xi32, #tpu.memory_space<hbm>>) dst(%arg8 : memref<80xi32, #tpu.memory_space<vmem>>)
      %dma_wait3A_106 = tpu.memref_slice %arg3[%add3A_103] : memref<1600000xi32, #tpu.memory_space<hbm>> -> memref<80xi32, #tpu.memory_space<hbm>>
      %dma_wait3A_107 = tpu.memref_slice %arg3[%add3A_103] : memref<1600000xi32, #tpu.memory_space<hbm>> -> memref<80xi32, #tpu.memory_space<hbm>>
      tpu.wait_dma2 semaphore(%arg25 : memref<!tpu.dma_semaphore, #tpu.memory_space<semaphore_mem>>) src(%dma_wait3A_107 : memref<80xi32, #tpu.memory_space<hbm>>) dst(%arg13 : memref<80xi32, #tpu.memory_space<vmem>>)
      %sub3A_108 = arith.constant 0 : i32
      %sub3A_109 = arith.subi %add3A_103, %sub3A_108 : i32
      %dma_wait3A_110 = arith.constant 0 : i32
      %dma_wait3A_111 = tpu.memref_slice %arg4[%sub3A_109, %dma_wait3A_110] : memref<1600000x16xf32, #tpu.memory_space<hbm>> -> memref<80x16xf32, #tpu.memory_space<hbm>>
      %dma_wait3A_112 = arith.constant 0 : i32
      %dma_wait3A_113 = tpu.memref_slice %arg4[%sub3A_109, %dma_wait3A_112] : memref<1600000x16xf32, #tpu.memory_space<hbm>> -> memref<80x16xf32, #tpu.memory_space<hbm>>
      tpu.wait_dma2 semaphore(%arg25 : memref<!tpu.dma_semaphore, #tpu.memory_space<semaphore_mem>>) src(%dma_wait3A_113 : memref<80x16xf32, #tpu.memory_space<hbm>>) dst(%arg18 : memref<80x16xf32, #tpu.memory_space<vmem>>)
      %dma_start3A_114 = arith.constant 0 : i32
      %dma_start3A_115 = arith.constant 0 : i32
      %dma_start3A_116 = tpu.memref_slice %arg22[%dma_start3A_114, %dma_start3A_115] : memref<50048x16xf32, #tpu.memory_space<vmem_shared>> -> memref<50048x16xf32, #tpu.memory_space<vmem_shared>>
      tpu.enqueue_indirect_dma source(%arg18 : memref<80x16xf32, #tpu.memory_space<vmem>>) target(%dma_start3A_116 : memref<50048x16xf32, #tpu.memory_space<vmem_shared>>) offsets(%arg8 : memref<80xi32, #tpu.memory_space<vmem>>) semaphore(%arg30 : memref<!tpu.dma_semaphore, #tpu.memory_space<semaphore_mem>>) {add = true}
      %dma_start3A_117 = arith.constant 0 : i32
      %dma_start3A_118 = arith.constant 0 : i32
      %dma_start3A_119 = tpu.memref_slice %arg23[%dma_start3A_117, %dma_start3A_118] : memref<50048x16xf32, #tpu.memory_space<vmem_shared>> -> memref<50048x16xf32, #tpu.memory_space<vmem_shared>>
      tpu.enqueue_indirect_dma source(%arg18 : memref<80x16xf32, #tpu.memory_space<vmem>>) target(%dma_start3A_119 : memref<50048x16xf32, #tpu.memory_space<vmem_shared>>) offsets(%arg13 : memref<80xi32, #tpu.memory_space<vmem>>) semaphore(%arg30 : memref<!tpu.dma_semaphore, #tpu.memory_space<semaphore_mem>>) {add = true}
      %mul3A_120 = arith.constant 5 : i32
      %mul3A_121 = arith.muli %scan3A_74, %mul3A_120 : i32
      %add3A_122 = arith.constant 2 : i32
      %add3A_123 = arith.addi %mul3A_121, %add3A_122 : i32
      %mul3A_124 = arith.constant 80 : i32
      %mul3A_125 = arith.muli %add3A_123, %mul3A_124 : i32
      %add3A_126 = arith.addi %add3A_7, %mul3A_125 : i32
      %dma_wait3A_127 = tpu.memref_slice %arg2[%add3A_126] : memref<1600000xi32, #tpu.memory_space<hbm>> -> memref<80xi32, #tpu.memory_space<hbm>>
      %dma_wait3A_128 = tpu.memref_slice %arg2[%add3A_126] : memref<1600000xi32, #tpu.memory_space<hbm>> -> memref<80xi32, #tpu.memory_space<hbm>>
      tpu.wait_dma2 semaphore(%arg26 : memref<!tpu.dma_semaphore, #tpu.memory_space<semaphore_mem>>) src(%dma_wait3A_128 : memref<80xi32, #tpu.memory_space<hbm>>) dst(%arg9 : memref<80xi32, #tpu.memory_space<vmem>>)
      %dma_wait3A_129 = tpu.memref_slice %arg3[%add3A_126] : memref<1600000xi32, #tpu.memory_space<hbm>> -> memref<80xi32, #tpu.memory_space<hbm>>
      %dma_wait3A_130 = tpu.memref_slice %arg3[%add3A_126] : memref<1600000xi32, #tpu.memory_space<hbm>> -> memref<80xi32, #tpu.memory_space<hbm>>
      tpu.wait_dma2 semaphore(%arg26 : memref<!tpu.dma_semaphore, #tpu.memory_space<semaphore_mem>>) src(%dma_wait3A_130 : memref<80xi32, #tpu.memory_space<hbm>>) dst(%arg14 : memref<80xi32, #tpu.memory_space<vmem>>)
      %sub3A_131 = arith.constant 0 : i32
      %sub3A_132 = arith.subi %add3A_126, %sub3A_131 : i32
      %dma_wait3A_133 = arith.constant 0 : i32
      %dma_wait3A_134 = tpu.memref_slice %arg4[%sub3A_132, %dma_wait3A_133] : memref<1600000x16xf32, #tpu.memory_space<hbm>> -> memref<80x16xf32, #tpu.memory_space<hbm>>
      %dma_wait3A_135 = arith.constant 0 : i32
      %dma_wait3A_136 = tpu.memref_slice %arg4[%sub3A_132, %dma_wait3A_135] : memref<1600000x16xf32, #tpu.memory_space<hbm>> -> memref<80x16xf32, #tpu.memory_space<hbm>>
      tpu.wait_dma2 semaphore(%arg26 : memref<!tpu.dma_semaphore, #tpu.memory_space<semaphore_mem>>) src(%dma_wait3A_136 : memref<80x16xf32, #tpu.memory_space<hbm>>) dst(%arg19 : memref<80x16xf32, #tpu.memory_space<vmem>>)
      %dma_start3A_137 = arith.constant 0 : i32
      %dma_start3A_138 = arith.constant 0 : i32
      %dma_start3A_139 = tpu.memref_slice %arg22[%dma_start3A_137, %dma_start3A_138] : memref<50048x16xf32, #tpu.memory_space<vmem_shared>> -> memref<50048x16xf32, #tpu.memory_space<vmem_shared>>
      tpu.enqueue_indirect_dma source(%arg19 : memref<80x16xf32, #tpu.memory_space<vmem>>) target(%dma_start3A_139 : memref<50048x16xf32, #tpu.memory_space<vmem_shared>>) offsets(%arg9 : memref<80xi32, #tpu.memory_space<vmem>>) semaphore(%arg31 : memref<!tpu.dma_semaphore, #tpu.memory_space<semaphore_mem>>) {add = true}
      %dma_start3A_140 = arith.constant 0 : i32
      %dma_start3A_141 = arith.constant 0 : i32
      %dma_start3A_142 = tpu.memref_slice %arg23[%dma_start3A_140, %dma_start3A_141] : memref<50048x16xf32, #tpu.memory_space<vmem_shared>> -> memref<50048x16xf32, #tpu.memory_space<vmem_shared>>
      tpu.enqueue_indirect_dma source(%arg19 : memref<80x16xf32, #tpu.memory_space<vmem>>) target(%dma_start3A_142 : memref<50048x16xf32, #tpu.memory_space<vmem_shared>>) offsets(%arg14 : memref<80xi32, #tpu.memory_space<vmem>>) semaphore(%arg31 : memref<!tpu.dma_semaphore, #tpu.memory_space<semaphore_mem>>) {add = true}
      %mul3A_143 = arith.constant 5 : i32
      %mul3A_144 = arith.muli %scan3A_74, %mul3A_143 : i32
      %add3A_145 = arith.constant 3 : i32
      %add3A_146 = arith.addi %mul3A_144, %add3A_145 : i32
      %mul3A_147 = arith.constant 80 : i32
      %mul3A_148 = arith.muli %add3A_146, %mul3A_147 : i32
      %add3A_149 = arith.addi %add3A_7, %mul3A_148 : i32
      %dma_wait3A_150 = tpu.memref_slice %arg2[%add3A_149] : memref<1600000xi32, #tpu.memory_space<hbm>> -> memref<80xi32, #tpu.memory_space<hbm>>
      %dma_wait3A_151 = tpu.memref_slice %arg2[%add3A_149] : memref<1600000xi32, #tpu.memory_space<hbm>> -> memref<80xi32, #tpu.memory_space<hbm>>
      tpu.wait_dma2 semaphore(%arg27 : memref<!tpu.dma_semaphore, #tpu.memory_space<semaphore_mem>>) src(%dma_wait3A_151 : memref<80xi32, #tpu.memory_space<hbm>>) dst(%arg10 : memref<80xi32, #tpu.memory_space<vmem>>)
      %dma_wait3A_152 = tpu.memref_slice %arg3[%add3A_149] : memref<1600000xi32, #tpu.memory_space<hbm>> -> memref<80xi32, #tpu.memory_space<hbm>>
      %dma_wait3A_153 = tpu.memref_slice %arg3[%add3A_149] : memref<1600000xi32, #tpu.memory_space<hbm>> -> memref<80xi32, #tpu.memory_space<hbm>>
      tpu.wait_dma2 semaphore(%arg27 : memref<!tpu.dma_semaphore, #tpu.memory_space<semaphore_mem>>) src(%dma_wait3A_153 : memref<80xi32, #tpu.memory_space<hbm>>) dst(%arg15 : memref<80xi32, #tpu.memory_space<vmem>>)
      %sub3A_154 = arith.constant 0 : i32
      %sub3A_155 = arith.subi %add3A_149, %sub3A_154 : i32
      %dma_wait3A_156 = arith.constant 0 : i32
      %dma_wait3A_157 = tpu.memref_slice %arg4[%sub3A_155, %dma_wait3A_156] : memref<1600000x16xf32, #tpu.memory_space<hbm>> -> memref<80x16xf32, #tpu.memory_space<hbm>>
      %dma_wait3A_158 = arith.constant 0 : i32
      %dma_wait3A_159 = tpu.memref_slice %arg4[%sub3A_155, %dma_wait3A_158] : memref<1600000x16xf32, #tpu.memory_space<hbm>> -> memref<80x16xf32, #tpu.memory_space<hbm>>
      tpu.wait_dma2 semaphore(%arg27 : memref<!tpu.dma_semaphore, #tpu.memory_space<semaphore_mem>>) src(%dma_wait3A_159 : memref<80x16xf32, #tpu.memory_space<hbm>>) dst(%arg20 : memref<80x16xf32, #tpu.memory_space<vmem>>)
      %dma_start3A_160 = arith.constant 0 : i32
      %dma_start3A_161 = arith.constant 0 : i32
      %dma_start3A_162 = tpu.memref_slice %arg22[%dma_start3A_160, %dma_start3A_161] : memref<50048x16xf32, #tpu.memory_space<vmem_shared>> -> memref<50048x16xf32, #tpu.memory_space<vmem_shared>>
      tpu.enqueue_indirect_dma source(%arg20 : memref<80x16xf32, #tpu.memory_space<vmem>>) target(%dma_start3A_162 : memref<50048x16xf32, #tpu.memory_space<vmem_shared>>) offsets(%arg10 : memref<80xi32, #tpu.memory_space<vmem>>) semaphore(%arg32 : memref<!tpu.dma_semaphore, #tpu.memory_space<semaphore_mem>>) {add = true}
      %dma_start3A_163 = arith.constant 0 : i32
      %dma_start3A_164 = arith.constant 0 : i32
      %dma_start3A_165 = tpu.memref_slice %arg23[%dma_start3A_163, %dma_start3A_164] : memref<50048x16xf32, #tpu.memory_space<vmem_shared>> -> memref<50048x16xf32, #tpu.memory_space<vmem_shared>>
      tpu.enqueue_indirect_dma source(%arg20 : memref<80x16xf32, #tpu.memory_space<vmem>>) target(%dma_start3A_165 : memref<50048x16xf32, #tpu.memory_space<vmem_shared>>) offsets(%arg15 : memref<80xi32, #tpu.memory_space<vmem>>) semaphore(%arg32 : memref<!tpu.dma_semaphore, #tpu.memory_space<semaphore_mem>>) {add = true}
      %mul3A_166 = arith.constant 5 : i32
      %mul3A_167 = arith.muli %scan3A_74, %mul3A_166 : i32
      %add3A_168 = arith.constant 4 : i32
      %add3A_169 = arith.addi %mul3A_167, %add3A_168 : i32
      %mul3A_170 = arith.constant 80 : i32
      %mul3A_171 = arith.muli %add3A_169, %mul3A_170 : i32
      %add3A_172 = arith.addi %add3A_7, %mul3A_171 : i32
      %dma_wait3A_173 = tpu.memref_slice %arg2[%add3A_172] : memref<1600000xi32, #tpu.memory_space<hbm>> -> memref<80xi32, #tpu.memory_space<hbm>>
      %dma_wait3A_174 = tpu.memref_slice %arg2[%add3A_172] : memref<1600000xi32, #tpu.memory_space<hbm>> -> memref<80xi32, #tpu.memory_space<hbm>>
      tpu.wait_dma2 semaphore(%arg28 : memref<!tpu.dma_semaphore, #tpu.memory_space<semaphore_mem>>) src(%dma_wait3A_174 : memref<80xi32, #tpu.memory_space<hbm>>) dst(%arg11 : memref<80xi32, #tpu.memory_space<vmem>>)
      %dma_wait3A_175 = tpu.memref_slice %arg3[%add3A_172] : memref<1600000xi32, #tpu.memory_space<hbm>> -> memref<80xi32, #tpu.memory_space<hbm>>
      %dma_wait3A_176 = tpu.memref_slice %arg3[%add3A_172] : memref<1600000xi32, #tpu.memory_space<hbm>> -> memref<80xi32, #tpu.memory_space<hbm>>
      tpu.wait_dma2 semaphore(%arg28 : memref<!tpu.dma_semaphore, #tpu.memory_space<semaphore_mem>>) src(%dma_wait3A_176 : memref<80xi32, #tpu.memory_space<hbm>>) dst(%arg16 : memref<80xi32, #tpu.memory_space<vmem>>)
      %sub3A_177 = arith.constant 0 : i32
      %sub3A_178 = arith.subi %add3A_172, %sub3A_177 : i32
      %dma_wait3A_179 = arith.constant 0 : i32
      %dma_wait3A_180 = tpu.memref_slice %arg4[%sub3A_178, %dma_wait3A_179] : memref<1600000x16xf32, #tpu.memory_space<hbm>> -> memref<80x16xf32, #tpu.memory_space<hbm>>
      %dma_wait3A_181 = arith.constant 0 : i32
      %dma_wait3A_182 = tpu.memref_slice %arg4[%sub3A_178, %dma_wait3A_181] : memref<1600000x16xf32, #tpu.memory_space<hbm>> -> memref<80x16xf32, #tpu.memory_space<hbm>>
      tpu.wait_dma2 semaphore(%arg28 : memref<!tpu.dma_semaphore, #tpu.memory_space<semaphore_mem>>) src(%dma_wait3A_182 : memref<80x16xf32, #tpu.memory_space<hbm>>) dst(%arg21 : memref<80x16xf32, #tpu.memory_space<vmem>>)
      %dma_start3A_183 = arith.constant 0 : i32
      %dma_start3A_184 = arith.constant 0 : i32
      %dma_start3A_185 = tpu.memref_slice %arg22[%dma_start3A_183, %dma_start3A_184] : memref<50048x16xf32, #tpu.memory_space<vmem_shared>> -> memref<50048x16xf32, #tpu.memory_space<vmem_shared>>
      tpu.enqueue_indirect_dma source(%arg21 : memref<80x16xf32, #tpu.memory_space<vmem>>) target(%dma_start3A_185 : memref<50048x16xf32, #tpu.memory_space<vmem_shared>>) offsets(%arg11 : memref<80xi32, #tpu.memory_space<vmem>>) semaphore(%arg33 : memref<!tpu.dma_semaphore, #tpu.memory_space<semaphore_mem>>) {add = true}
      %dma_start3A_186 = arith.constant 0 : i32
      %dma_start3A_187 = arith.constant 0 : i32
      %dma_start3A_188 = tpu.memref_slice %arg23[%dma_start3A_186, %dma_start3A_187] : memref<50048x16xf32, #tpu.memory_space<vmem_shared>> -> memref<50048x16xf32, #tpu.memory_space<vmem_shared>>
      tpu.enqueue_indirect_dma source(%arg21 : memref<80x16xf32, #tpu.memory_space<vmem>>) target(%dma_start3A_188 : memref<50048x16xf32, #tpu.memory_space<vmem_shared>>) offsets(%arg16 : memref<80xi32, #tpu.memory_space<vmem>>) semaphore(%arg33 : memref<!tpu.dma_semaphore, #tpu.memory_space<semaphore_mem>>) {add = true}
      %dma_wait3A_189 = arith.constant 0 : i32
      %dma_wait3A_190 = arith.constant 0 : i32
      %dma_wait3A_191 = tpu.memref_slice %arg22[%dma_wait3A_189, %dma_wait3A_190] : memref<50048x16xf32, #tpu.memory_space<vmem_shared>> -> memref<50048x16xf32, #tpu.memory_space<vmem_shared>>
      tpu.wait_indirect_dma semaphore(%arg29 : memref<!tpu.dma_semaphore, #tpu.memory_space<semaphore_mem>>) src(%arg17 : memref<80x16xf32, #tpu.memory_space<vmem>>) dst(%dma_wait3A_191 : memref<50048x16xf32, #tpu.memory_space<vmem_shared>>)
      %dma_wait3A_192 = arith.constant 0 : i32
      %dma_wait3A_193 = arith.constant 0 : i32
      %dma_wait3A_194 = tpu.memref_slice %arg23[%dma_wait3A_192, %dma_wait3A_193] : memref<50048x16xf32, #tpu.memory_space<vmem_shared>> -> memref<50048x16xf32, #tpu.memory_space<vmem_shared>>
      tpu.wait_indirect_dma semaphore(%arg29 : memref<!tpu.dma_semaphore, #tpu.memory_space<semaphore_mem>>) src(%arg17 : memref<80x16xf32, #tpu.memory_space<vmem>>) dst(%dma_wait3A_194 : memref<50048x16xf32, #tpu.memory_space<vmem_shared>>)
      %add3A_195 = arith.constant 1 : i32
      %add3A_196 = arith.addi %scan3A_74, %add3A_195 : i32
      %lt3A = arith.constant 125 : i32
      %lt3A_197 = arith.cmpi slt, %add3A_196, %lt3A : i32
      %convert_element_type3A = arith.extui %lt3A_197 : i1 to i32
      %cond3A = arith.constant 0 : i32
      %cond3A_198 = arith.cmpi ne, %convert_element_type3A, %cond3A : i32
      scf.if %cond3A_198 {
        %add3A_251 = arith.constant 1 : i32
        %add3A_252 = arith.addi %scan3A_74, %add3A_251 : i32
        %mul3A_253 = arith.constant 5 : i32
        %mul3A_254 = arith.muli %add3A_252, %mul3A_253 : i32
        %add3A_255 = arith.constant 0 : i32
        %add3A_256 = arith.addi %mul3A_254, %add3A_255 : i32
        %mul3A_257 = arith.constant 80 : i32
        %mul3A_258 = arith.muli %add3A_256, %mul3A_257 : i32
        %add3A_259 = arith.addi %add3A_7, %mul3A_258 : i32
        %dma_start3A_260 = tpu.memref_slice %arg2[%add3A_259] : memref<1600000xi32, #tpu.memory_space<hbm>> -> memref<80xi32, #tpu.memory_space<hbm>>
        %dma_start3A_261 = tpu.memref_slice %arg2[%add3A_259] : memref<1600000xi32, #tpu.memory_space<hbm>> -> memref<80xi32, #tpu.memory_space<hbm>>
        tpu.enqueue_dma source(%dma_start3A_261 : memref<80xi32, #tpu.memory_space<hbm>>) target(%arg7 : memref<80xi32, #tpu.memory_space<vmem>>) target_semaphore(%arg24 : memref<!tpu.dma_semaphore, #tpu.memory_space<semaphore_mem>>)
        %dma_start3A_262 = tpu.memref_slice %arg3[%add3A_259] : memref<1600000xi32, #tpu.memory_space<hbm>> -> memref<80xi32, #tpu.memory_space<hbm>>
        %dma_start3A_263 = tpu.memref_slice %arg3[%add3A_259] : memref<1600000xi32, #tpu.memory_space<hbm>> -> memref<80xi32, #tpu.memory_space<hbm>>
        tpu.enqueue_dma source(%dma_start3A_263 : memref<80xi32, #tpu.memory_space<hbm>>) target(%arg12 : memref<80xi32, #tpu.memory_space<vmem>>) target_semaphore(%arg24 : memref<!tpu.dma_semaphore, #tpu.memory_space<semaphore_mem>>)
        %sub3A_264 = arith.constant 0 : i32
        %sub3A_265 = arith.subi %add3A_259, %sub3A_264 : i32
        %dma_start3A_266 = arith.constant 0 : i32
        %dma_start3A_267 = tpu.memref_slice %arg4[%sub3A_265, %dma_start3A_266] : memref<1600000x16xf32, #tpu.memory_space<hbm>> -> memref<80x16xf32, #tpu.memory_space<hbm>>
        %dma_start3A_268 = arith.constant 0 : i32
        %dma_start3A_269 = tpu.memref_slice %arg4[%sub3A_265, %dma_start3A_268] : memref<1600000x16xf32, #tpu.memory_space<hbm>> -> memref<80x16xf32, #tpu.memory_space<hbm>>
        tpu.enqueue_dma source(%dma_start3A_269 : memref<80x16xf32, #tpu.memory_space<hbm>>) target(%arg17 : memref<80x16xf32, #tpu.memory_space<vmem>>) target_semaphore(%arg24 : memref<!tpu.dma_semaphore, #tpu.memory_space<semaphore_mem>>)
      } else {
      }
      %dma_wait3A_199 = arith.constant 0 : i32
      %dma_wait3A_200 = arith.constant 0 : i32
      %dma_wait3A_201 = tpu.memref_slice %arg22[%dma_wait3A_199, %dma_wait3A_200] : memref<50048x16xf32, #tpu.memory_space<vmem_shared>> -> memref<50048x16xf32, #tpu.memory_space<vmem_shared>>
      tpu.wait_indirect_dma semaphore(%arg30 : memref<!tpu.dma_semaphore, #tpu.memory_space<semaphore_mem>>) src(%arg18 : memref<80x16xf32, #tpu.memory_space<vmem>>) dst(%dma_wait3A_201 : memref<50048x16xf32, #tpu.memory_space<vmem_shared>>)
      %dma_wait3A_202 = arith.constant 0 : i32
      %dma_wait3A_203 = arith.constant 0 : i32
      %dma_wait3A_204 = tpu.memref_slice %arg23[%dma_wait3A_202, %dma_wait3A_203] : memref<50048x16xf32, #tpu.memory_space<vmem_shared>> -> memref<50048x16xf32, #tpu.memory_space<vmem_shared>>
      tpu.wait_indirect_dma semaphore(%arg30 : memref<!tpu.dma_semaphore, #tpu.memory_space<semaphore_mem>>) src(%arg18 : memref<80x16xf32, #tpu.memory_space<vmem>>) dst(%dma_wait3A_204 : memref<50048x16xf32, #tpu.memory_space<vmem_shared>>)
      %add3A_205 = arith.constant 1 : i32
      %add3A_206 = arith.addi %scan3A_74, %add3A_205 : i32
      %lt3A_207 = arith.constant 125 : i32
      %lt3A_208 = arith.cmpi slt, %add3A_206, %lt3A_207 : i32
      %convert_element_type3A_209 = arith.extui %lt3A_208 : i1 to i32
      %cond3A_210 = arith.constant 0 : i32
      %cond3A_211 = arith.cmpi ne, %convert_element_type3A_209, %cond3A_210 : i32
      scf.if %cond3A_211 {
        %add3A_251 = arith.constant 1 : i32
        %add3A_252 = arith.addi %scan3A_74, %add3A_251 : i32
        %mul3A_253 = arith.constant 5 : i32
        %mul3A_254 = arith.muli %add3A_252, %mul3A_253 : i32
        %add3A_255 = arith.constant 1 : i32
        %add3A_256 = arith.addi %mul3A_254, %add3A_255 : i32
        %mul3A_257 = arith.constant 80 : i32
        %mul3A_258 = arith.muli %add3A_256, %mul3A_257 : i32
        %add3A_259 = arith.addi %add3A_7, %mul3A_258 : i32
        %dma_start3A_260 = tpu.memref_slice %arg2[%add3A_259] : memref<1600000xi32, #tpu.memory_space<hbm>> -> memref<80xi32, #tpu.memory_space<hbm>>
        %dma_start3A_261 = tpu.memref_slice %arg2[%add3A_259] : memref<1600000xi32, #tpu.memory_space<hbm>> -> memref<80xi32, #tpu.memory_space<hbm>>
        tpu.enqueue_dma source(%dma_start3A_261 : memref<80xi32, #tpu.memory_space<hbm>>) target(%arg8 : memref<80xi32, #tpu.memory_space<vmem>>) target_semaphore(%arg25 : memref<!tpu.dma_semaphore, #tpu.memory_space<semaphore_mem>>)
        %dma_start3A_262 = tpu.memref_slice %arg3[%add3A_259] : memref<1600000xi32, #tpu.memory_space<hbm>> -> memref<80xi32, #tpu.memory_space<hbm>>
        %dma_start3A_263 = tpu.memref_slice %arg3[%add3A_259] : memref<1600000xi32, #tpu.memory_space<hbm>> -> memref<80xi32, #tpu.memory_space<hbm>>
        tpu.enqueue_dma source(%dma_start3A_263 : memref<80xi32, #tpu.memory_space<hbm>>) target(%arg13 : memref<80xi32, #tpu.memory_space<vmem>>) target_semaphore(%arg25 : memref<!tpu.dma_semaphore, #tpu.memory_space<semaphore_mem>>)
        %sub3A_264 = arith.constant 0 : i32
        %sub3A_265 = arith.subi %add3A_259, %sub3A_264 : i32
        %dma_start3A_266 = arith.constant 0 : i32
        %dma_start3A_267 = tpu.memref_slice %arg4[%sub3A_265, %dma_start3A_266] : memref<1600000x16xf32, #tpu.memory_space<hbm>> -> memref<80x16xf32, #tpu.memory_space<hbm>>
        %dma_start3A_268 = arith.constant 0 : i32
        %dma_start3A_269 = tpu.memref_slice %arg4[%sub3A_265, %dma_start3A_268] : memref<1600000x16xf32, #tpu.memory_space<hbm>> -> memref<80x16xf32, #tpu.memory_space<hbm>>
        tpu.enqueue_dma source(%dma_start3A_269 : memref<80x16xf32, #tpu.memory_space<hbm>>) target(%arg18 : memref<80x16xf32, #tpu.memory_space<vmem>>) target_semaphore(%arg25 : memref<!tpu.dma_semaphore, #tpu.memory_space<semaphore_mem>>)
      } else {
      }
      %dma_wait3A_212 = arith.constant 0 : i32
      %dma_wait3A_213 = arith.constant 0 : i32
      %dma_wait3A_214 = tpu.memref_slice %arg22[%dma_wait3A_212, %dma_wait3A_213] : memref<50048x16xf32, #tpu.memory_space<vmem_shared>> -> memref<50048x16xf32, #tpu.memory_space<vmem_shared>>
      tpu.wait_indirect_dma semaphore(%arg31 : memref<!tpu.dma_semaphore, #tpu.memory_space<semaphore_mem>>) src(%arg19 : memref<80x16xf32, #tpu.memory_space<vmem>>) dst(%dma_wait3A_214 : memref<50048x16xf32, #tpu.memory_space<vmem_shared>>)
      %dma_wait3A_215 = arith.constant 0 : i32
      %dma_wait3A_216 = arith.constant 0 : i32
      %dma_wait3A_217 = tpu.memref_slice %arg23[%dma_wait3A_215, %dma_wait3A_216] : memref<50048x16xf32, #tpu.memory_space<vmem_shared>> -> memref<50048x16xf32, #tpu.memory_space<vmem_shared>>
      tpu.wait_indirect_dma semaphore(%arg31 : memref<!tpu.dma_semaphore, #tpu.memory_space<semaphore_mem>>) src(%arg19 : memref<80x16xf32, #tpu.memory_space<vmem>>) dst(%dma_wait3A_217 : memref<50048x16xf32, #tpu.memory_space<vmem_shared>>)
      %add3A_218 = arith.constant 1 : i32
      %add3A_219 = arith.addi %scan3A_74, %add3A_218 : i32
      %lt3A_220 = arith.constant 125 : i32
      %lt3A_221 = arith.cmpi slt, %add3A_219, %lt3A_220 : i32
      %convert_element_type3A_222 = arith.extui %lt3A_221 : i1 to i32
      %cond3A_223 = arith.constant 0 : i32
      %cond3A_224 = arith.cmpi ne, %convert_element_type3A_222, %cond3A_223 : i32
      scf.if %cond3A_224 {
        %add3A_251 = arith.constant 1 : i32
        %add3A_252 = arith.addi %scan3A_74, %add3A_251 : i32
        %mul3A_253 = arith.constant 5 : i32
        %mul3A_254 = arith.muli %add3A_252, %mul3A_253 : i32
        %add3A_255 = arith.constant 2 : i32
        %add3A_256 = arith.addi %mul3A_254, %add3A_255 : i32
        %mul3A_257 = arith.constant 80 : i32
        %mul3A_258 = arith.muli %add3A_256, %mul3A_257 : i32
        %add3A_259 = arith.addi %add3A_7, %mul3A_258 : i32
        %dma_start3A_260 = tpu.memref_slice %arg2[%add3A_259] : memref<1600000xi32, #tpu.memory_space<hbm>> -> memref<80xi32, #tpu.memory_space<hbm>>
        %dma_start3A_261 = tpu.memref_slice %arg2[%add3A_259] : memref<1600000xi32, #tpu.memory_space<hbm>> -> memref<80xi32, #tpu.memory_space<hbm>>
        tpu.enqueue_dma source(%dma_start3A_261 : memref<80xi32, #tpu.memory_space<hbm>>) target(%arg9 : memref<80xi32, #tpu.memory_space<vmem>>) target_semaphore(%arg26 : memref<!tpu.dma_semaphore, #tpu.memory_space<semaphore_mem>>)
        %dma_start3A_262 = tpu.memref_slice %arg3[%add3A_259] : memref<1600000xi32, #tpu.memory_space<hbm>> -> memref<80xi32, #tpu.memory_space<hbm>>
        %dma_start3A_263 = tpu.memref_slice %arg3[%add3A_259] : memref<1600000xi32, #tpu.memory_space<hbm>> -> memref<80xi32, #tpu.memory_space<hbm>>
        tpu.enqueue_dma source(%dma_start3A_263 : memref<80xi32, #tpu.memory_space<hbm>>) target(%arg14 : memref<80xi32, #tpu.memory_space<vmem>>) target_semaphore(%arg26 : memref<!tpu.dma_semaphore, #tpu.memory_space<semaphore_mem>>)
        %sub3A_264 = arith.constant 0 : i32
        %sub3A_265 = arith.subi %add3A_259, %sub3A_264 : i32
        %dma_start3A_266 = arith.constant 0 : i32
        %dma_start3A_267 = tpu.memref_slice %arg4[%sub3A_265, %dma_start3A_266] : memref<1600000x16xf32, #tpu.memory_space<hbm>> -> memref<80x16xf32, #tpu.memory_space<hbm>>
        %dma_start3A_268 = arith.constant 0 : i32
        %dma_start3A_269 = tpu.memref_slice %arg4[%sub3A_265, %dma_start3A_268] : memref<1600000x16xf32, #tpu.memory_space<hbm>> -> memref<80x16xf32, #tpu.memory_space<hbm>>
        tpu.enqueue_dma source(%dma_start3A_269 : memref<80x16xf32, #tpu.memory_space<hbm>>) target(%arg19 : memref<80x16xf32, #tpu.memory_space<vmem>>) target_semaphore(%arg26 : memref<!tpu.dma_semaphore, #tpu.memory_space<semaphore_mem>>)
      } else {
      }
      %dma_wait3A_225 = arith.constant 0 : i32
      %dma_wait3A_226 = arith.constant 0 : i32
      %dma_wait3A_227 = tpu.memref_slice %arg22[%dma_wait3A_225, %dma_wait3A_226] : memref<50048x16xf32, #tpu.memory_space<vmem_shared>> -> memref<50048x16xf32, #tpu.memory_space<vmem_shared>>
      tpu.wait_indirect_dma semaphore(%arg32 : memref<!tpu.dma_semaphore, #tpu.memory_space<semaphore_mem>>) src(%arg20 : memref<80x16xf32, #tpu.memory_space<vmem>>) dst(%dma_wait3A_227 : memref<50048x16xf32, #tpu.memory_space<vmem_shared>>)
      %dma_wait3A_228 = arith.constant 0 : i32
      %dma_wait3A_229 = arith.constant 0 : i32
      %dma_wait3A_230 = tpu.memref_slice %arg23[%dma_wait3A_228, %dma_wait3A_229] : memref<50048x16xf32, #tpu.memory_space<vmem_shared>> -> memref<50048x16xf32, #tpu.memory_space<vmem_shared>>
      tpu.wait_indirect_dma semaphore(%arg32 : memref<!tpu.dma_semaphore, #tpu.memory_space<semaphore_mem>>) src(%arg20 : memref<80x16xf32, #tpu.memory_space<vmem>>) dst(%dma_wait3A_230 : memref<50048x16xf32, #tpu.memory_space<vmem_shared>>)
      %add3A_231 = arith.constant 1 : i32
      %add3A_232 = arith.addi %scan3A_74, %add3A_231 : i32
      %lt3A_233 = arith.constant 125 : i32
      %lt3A_234 = arith.cmpi slt, %add3A_232, %lt3A_233 : i32
      %convert_element_type3A_235 = arith.extui %lt3A_234 : i1 to i32
      %cond3A_236 = arith.constant 0 : i32
      %cond3A_237 = arith.cmpi ne, %convert_element_type3A_235, %cond3A_236 : i32
      scf.if %cond3A_237 {
        %add3A_251 = arith.constant 1 : i32
        %add3A_252 = arith.addi %scan3A_74, %add3A_251 : i32
        %mul3A_253 = arith.constant 5 : i32
        %mul3A_254 = arith.muli %add3A_252, %mul3A_253 : i32
        %add3A_255 = arith.constant 3 : i32
        %add3A_256 = arith.addi %mul3A_254, %add3A_255 : i32
        %mul3A_257 = arith.constant 80 : i32
        %mul3A_258 = arith.muli %add3A_256, %mul3A_257 : i32
        %add3A_259 = arith.addi %add3A_7, %mul3A_258 : i32
        %dma_start3A_260 = tpu.memref_slice %arg2[%add3A_259] : memref<1600000xi32, #tpu.memory_space<hbm>> -> memref<80xi32, #tpu.memory_space<hbm>>
        %dma_start3A_261 = tpu.memref_slice %arg2[%add3A_259] : memref<1600000xi32, #tpu.memory_space<hbm>> -> memref<80xi32, #tpu.memory_space<hbm>>
        tpu.enqueue_dma source(%dma_start3A_261 : memref<80xi32, #tpu.memory_space<hbm>>) target(%arg10 : memref<80xi32, #tpu.memory_space<vmem>>) target_semaphore(%arg27 : memref<!tpu.dma_semaphore, #tpu.memory_space<semaphore_mem>>)
        %dma_start3A_262 = tpu.memref_slice %arg3[%add3A_259] : memref<1600000xi32, #tpu.memory_space<hbm>> -> memref<80xi32, #tpu.memory_space<hbm>>
        %dma_start3A_263 = tpu.memref_slice %arg3[%add3A_259] : memref<1600000xi32, #tpu.memory_space<hbm>> -> memref<80xi32, #tpu.memory_space<hbm>>
        tpu.enqueue_dma source(%dma_start3A_263 : memref<80xi32, #tpu.memory_space<hbm>>) target(%arg15 : memref<80xi32, #tpu.memory_space<vmem>>) target_semaphore(%arg27 : memref<!tpu.dma_semaphore, #tpu.memory_space<semaphore_mem>>)
        %sub3A_264 = arith.constant 0 : i32
        %sub3A_265 = arith.subi %add3A_259, %sub3A_264 : i32
        %dma_start3A_266 = arith.constant 0 : i32
        %dma_start3A_267 = tpu.memref_slice %arg4[%sub3A_265, %dma_start3A_266] : memref<1600000x16xf32, #tpu.memory_space<hbm>> -> memref<80x16xf32, #tpu.memory_space<hbm>>
        %dma_start3A_268 = arith.constant 0 : i32
        %dma_start3A_269 = tpu.memref_slice %arg4[%sub3A_265, %dma_start3A_268] : memref<1600000x16xf32, #tpu.memory_space<hbm>> -> memref<80x16xf32, #tpu.memory_space<hbm>>
        tpu.enqueue_dma source(%dma_start3A_269 : memref<80x16xf32, #tpu.memory_space<hbm>>) target(%arg20 : memref<80x16xf32, #tpu.memory_space<vmem>>) target_semaphore(%arg27 : memref<!tpu.dma_semaphore, #tpu.memory_space<semaphore_mem>>)
      } else {
      }
      %dma_wait3A_238 = arith.constant 0 : i32
      %dma_wait3A_239 = arith.constant 0 : i32
      %dma_wait3A_240 = tpu.memref_slice %arg22[%dma_wait3A_238, %dma_wait3A_239] : memref<50048x16xf32, #tpu.memory_space<vmem_shared>> -> memref<50048x16xf32, #tpu.memory_space<vmem_shared>>
      tpu.wait_indirect_dma semaphore(%arg33 : memref<!tpu.dma_semaphore, #tpu.memory_space<semaphore_mem>>) src(%arg21 : memref<80x16xf32, #tpu.memory_space<vmem>>) dst(%dma_wait3A_240 : memref<50048x16xf32, #tpu.memory_space<vmem_shared>>)
      %dma_wait3A_241 = arith.constant 0 : i32
      %dma_wait3A_242 = arith.constant 0 : i32
      %dma_wait3A_243 = tpu.memref_slice %arg23[%dma_wait3A_241, %dma_wait3A_242] : memref<50048x16xf32, #tpu.memory_space<vmem_shared>> -> memref<50048x16xf32, #tpu.memory_space<vmem_shared>>
      tpu.wait_indirect_dma semaphore(%arg33 : memref<!tpu.dma_semaphore, #tpu.memory_space<semaphore_mem>>) src(%arg21 : memref<80x16xf32, #tpu.memory_space<vmem>>) dst(%dma_wait3A_243 : memref<50048x16xf32, #tpu.memory_space<vmem_shared>>)
      %add3A_244 = arith.constant 1 : i32
      %add3A_245 = arith.addi %scan3A_74, %add3A_244 : i32
      %lt3A_246 = arith.constant 125 : i32
      %lt3A_247 = arith.cmpi slt, %add3A_245, %lt3A_246 : i32
      %convert_element_type3A_248 = arith.extui %lt3A_247 : i1 to i32
      %cond3A_249 = arith.constant 0 : i32
      %cond3A_250 = arith.cmpi ne, %convert_element_type3A_248, %cond3A_249 : i32
      scf.if %cond3A_250 {
        %add3A_251 = arith.constant 1 : i32
        %add3A_252 = arith.addi %scan3A_74, %add3A_251 : i32
        %mul3A_253 = arith.constant 5 : i32
        %mul3A_254 = arith.muli %add3A_252, %mul3A_253 : i32
        %add3A_255 = arith.constant 4 : i32
        %add3A_256 = arith.addi %mul3A_254, %add3A_255 : i32
        %mul3A_257 = arith.constant 80 : i32
        %mul3A_258 = arith.muli %add3A_256, %mul3A_257 : i32
        %add3A_259 = arith.addi %add3A_7, %mul3A_258 : i32
        %dma_start3A_260 = tpu.memref_slice %arg2[%add3A_259] : memref<1600000xi32, #tpu.memory_space<hbm>> -> memref<80xi32, #tpu.memory_space<hbm>>
        %dma_start3A_261 = tpu.memref_slice %arg2[%add3A_259] : memref<1600000xi32, #tpu.memory_space<hbm>> -> memref<80xi32, #tpu.memory_space<hbm>>
        tpu.enqueue_dma source(%dma_start3A_261 : memref<80xi32, #tpu.memory_space<hbm>>) target(%arg11 : memref<80xi32, #tpu.memory_space<vmem>>) target_semaphore(%arg28 : memref<!tpu.dma_semaphore, #tpu.memory_space<semaphore_mem>>)
        %dma_start3A_262 = tpu.memref_slice %arg3[%add3A_259] : memref<1600000xi32, #tpu.memory_space<hbm>> -> memref<80xi32, #tpu.memory_space<hbm>>
        %dma_start3A_263 = tpu.memref_slice %arg3[%add3A_259] : memref<1600000xi32, #tpu.memory_space<hbm>> -> memref<80xi32, #tpu.memory_space<hbm>>
        tpu.enqueue_dma source(%dma_start3A_263 : memref<80xi32, #tpu.memory_space<hbm>>) target(%arg16 : memref<80xi32, #tpu.memory_space<vmem>>) target_semaphore(%arg28 : memref<!tpu.dma_semaphore, #tpu.memory_space<semaphore_mem>>)
        %sub3A_264 = arith.constant 0 : i32
        %sub3A_265 = arith.subi %add3A_259, %sub3A_264 : i32
        %dma_start3A_266 = arith.constant 0 : i32
        %dma_start3A_267 = tpu.memref_slice %arg4[%sub3A_265, %dma_start3A_266] : memref<1600000x16xf32, #tpu.memory_space<hbm>> -> memref<80x16xf32, #tpu.memory_space<hbm>>
        %dma_start3A_268 = arith.constant 0 : i32
        %dma_start3A_269 = tpu.memref_slice %arg4[%sub3A_265, %dma_start3A_268] : memref<1600000x16xf32, #tpu.memory_space<hbm>> -> memref<80x16xf32, #tpu.memory_space<hbm>>
        tpu.enqueue_dma source(%dma_start3A_269 : memref<80x16xf32, #tpu.memory_space<hbm>>) target(%arg21 : memref<80x16xf32, #tpu.memory_space<vmem>>) target_semaphore(%arg28 : memref<!tpu.dma_semaphore, #tpu.memory_space<semaphore_mem>>)
      } else {
      }
    }
    %scan3A_70 = arith.constant 125 : i32
    %barrier3A_71 = arith.constant 0 : index
    tpu.barrier barrier_id(%barrier3A_71)
    %run_scoped3A_72 = arith.constant 0 : i32
    "tpu.region"() ({
      %run_scoped3A_74 = tpu.sem_alloc : memref<!tpu.dma_semaphore, #tpu.memory_space<semaphore_mem>>
      %dma_start3A_75 = arith.constant 0 : i32
      %dma_start3A_76 = tpu.memref_slice %arg6[%run_scoped3A_72, %arg0, %mul3A_2, %dma_start3A_75] : memref<2x2x50048x16xf32, #tpu.memory_space<hbm>> -> memref<1x1x3128x16xf32, #tpu.memory_space<hbm>>
      %dma_start3A_77 = tpu.memref_squeeze %dma_start3A_76 : memref<1x1x3128x16xf32, #tpu.memory_space<hbm>> -> memref<3128x16xf32, #tpu.memory_space<hbm>>
      %dma_start3A_78 = arith.constant 0 : i32
      %dma_start3A_79 = tpu.memref_slice %arg22[%mul3A_2, %dma_start3A_78] : memref<50048x16xf32, #tpu.memory_space<vmem_shared>> -> memref<3128x16xf32, #tpu.memory_space<vmem_shared>>
      tpu.enqueue_dma source(%dma_start3A_79 : memref<3128x16xf32, #tpu.memory_space<vmem_shared>>) target(%dma_start3A_77 : memref<3128x16xf32, #tpu.memory_space<hbm>>) target_semaphore(%run_scoped3A_74 : memref<!tpu.dma_semaphore, #tpu.memory_space<semaphore_mem>>)
      %dma_wait3A = arith.constant 0 : i32
      %dma_wait3A_80 = tpu.memref_slice %arg6[%run_scoped3A_72, %arg0, %mul3A_2, %dma_wait3A] : memref<2x2x50048x16xf32, #tpu.memory_space<hbm>> -> memref<1x1x3128x16xf32, #tpu.memory_space<hbm>>
      %dma_wait3A_81 = tpu.memref_squeeze %dma_wait3A_80 : memref<1x1x3128x16xf32, #tpu.memory_space<hbm>> -> memref<3128x16xf32, #tpu.memory_space<hbm>>
      %dma_wait3A_82 = arith.constant 0 : i32
      %dma_wait3A_83 = tpu.memref_slice %arg22[%mul3A_2, %dma_wait3A_82] : memref<50048x16xf32, #tpu.memory_space<vmem_shared>> -> memref<3128x16xf32, #tpu.memory_space<vmem_shared>>
      tpu.wait_dma2 semaphore(%run_scoped3A_74 : memref<!tpu.dma_semaphore, #tpu.memory_space<semaphore_mem>>) src(%dma_wait3A_83 : memref<3128x16xf32, #tpu.memory_space<vmem_shared>>) dst(%dma_wait3A_81 : memref<3128x16xf32, #tpu.memory_space<hbm>>)
      tpu.yield
    }) : () -> ()
    %run_scoped3A_73 = arith.constant 1 : i32
    "tpu.region"() ({
      %run_scoped3A_74 = tpu.sem_alloc : memref<!tpu.dma_semaphore, #tpu.memory_space<semaphore_mem>>
      %dma_start3A_75 = arith.constant 0 : i32
      %dma_start3A_76 = tpu.memref_slice %arg6[%run_scoped3A_73, %arg0, %mul3A_2, %dma_start3A_75] : memref<2x2x50048x16xf32, #tpu.memory_space<hbm>> -> memref<1x1x3128x16xf32, #tpu.memory_space<hbm>>
      %dma_start3A_77 = tpu.memref_squeeze %dma_start3A_76 : memref<1x1x3128x16xf32, #tpu.memory_space<hbm>> -> memref<3128x16xf32, #tpu.memory_space<hbm>>
      %dma_start3A_78 = arith.constant 0 : i32
      %dma_start3A_79 = tpu.memref_slice %arg23[%mul3A_2, %dma_start3A_78] : memref<50048x16xf32, #tpu.memory_space<vmem_shared>> -> memref<3128x16xf32, #tpu.memory_space<vmem_shared>>
      tpu.enqueue_dma source(%dma_start3A_79 : memref<3128x16xf32, #tpu.memory_space<vmem_shared>>) target(%dma_start3A_77 : memref<3128x16xf32, #tpu.memory_space<hbm>>) target_semaphore(%run_scoped3A_74 : memref<!tpu.dma_semaphore, #tpu.memory_space<semaphore_mem>>)
      %dma_wait3A = arith.constant 0 : i32
      %dma_wait3A_80 = tpu.memref_slice %arg6[%run_scoped3A_73, %arg0, %mul3A_2, %dma_wait3A] : memref<2x2x50048x16xf32, #tpu.memory_space<hbm>> -> memref<1x1x3128x16xf32, #tpu.memory_space<hbm>>
      %dma_wait3A_81 = tpu.memref_squeeze %dma_wait3A_80 : memref<1x1x3128x16xf32, #tpu.memory_space<hbm>> -> memref<3128x16xf32, #tpu.memory_space<hbm>>
      %dma_wait3A_82 = arith.constant 0 : i32
      %dma_wait3A_83 = tpu.memref_slice %arg23[%mul3A_2, %dma_wait3A_82] : memref<50048x16xf32, #tpu.memory_space<vmem_shared>> -> memref<3128x16xf32, #tpu.memory_space<vmem_shared>>
      tpu.wait_dma2 semaphore(%run_scoped3A_74 : memref<!tpu.dma_semaphore, #tpu.memory_space<semaphore_mem>>) src(%dma_wait3A_83 : memref<3128x16xf32, #tpu.memory_space<vmem_shared>>) dst(%dma_wait3A_81 : memref<3128x16xf32, #tpu.memory_space<hbm>>)
      tpu.yield
    }) : () -> ()
    return
  }
}

</mosaic_0001>

<sc_bundles>
// kernel: _sc_phase_a.3.cloned.1.call-start
scs
__scs_entry_jumppad:
0x0: {  	(pc) =	sbr.rel $0x88, $3  }
0x1: {  	(tag) =	ssettag $0x0;
	lr =	simm.s32 $0x1  }
0x2: {  	[smem:$0x3F9D] =	sst lr;
	_ =	strace $0xD0000000  }
0x3: {  	_ = 	snop  }
0x4: {  	_ = 	snop  }
0x5: {  	_ = 	snop  }
0x6: {  	_ = 	snop  }
0x7: {  	_ = 	snop  }
__scs_overlays_trampoline_lowered:
0x8: {  	[smem:$0x3FAC] =	sst s0  }
0x9: {  	[smem:$0x3FAD] =	sst s1  }
0xa: {  	[smem:$0x3FAE] =	sst s2  }
0xb: {  	[smem:$0x3FAF] =	sst s3  }
0xc: {  	[smem:$0x3FB0] =	sst s4  }
0xd: {  	[smem:$0x3FB1] =	sst s5  }
0xe: {  	[smem:$0x3FB2] =	sst s6  }
0xf: {  	[smem:$0x3FB3] =	sst s7  }
0x10: {  	[smem:$0x3FB4] =	sst s8  }
0x11: {  	[smem:$0x3FB5] =	sst s9;
	s0 =	simm.s32 @!p0 $0x0  }
0x12: {  	s1 =	sld [smem:$0x3F9B];
	s0 =	simm.s32 @p0 $0x1  }
0x13: {  	[smem:$0x3FB6] =	sst s0;
	s0 =	simm.s32 @!p1 $0x0  }
0x14: {  	s2 =	sld [smem:$0x3F9A];
	s0 =	simm.s32 @p1 $0x1  }
0x15: {  	[smem:$0x3FB7] =	sst s0;
	s0 =	simm.s32 @!p2 $0x0  }
0x16: {  	s3 =	sld [smem:$0x3FDB];
	s0 =	simm.s32 @p2 $0x1  }
0x17: {  	s4 =	simm.s32 $0x1BF5;
	[smem:$0x3FB9] =	sst s0  }
0x18: {  	s0 =	sld [smem:$0x3F9C];
	_ =	swait.ge [sflag:s4], $0x0  }
0x19: {  	s7 =	sld [smem:$0x3F9D]  }
0x1a: {  	s8 =	sadd.s32 $0xFFFFE003, lr  }
0x1b: {  	s9 =	sadd.s32 $0xFFFFFEF7, lr;
	s5 =	simm.s32 $0xFFFFFFFF;
	p2 =	slt.u32 s8, $0xFFFFF086  }
0x1c: {  	p1 =	slt.u32 s9, $0xF7A;
	s5 =	simm.s32 @!p2 $0x0  }
0x1d: {  	s5 =	simm.s32 @p1 $0x1;
	p0 =	seq.s32 s7, s2  }
0x1e: {  	s7 =	smul.u32 @!p0 $0xF7A, s2;
	p2 =	seq.s32 @!p0 s5, $0x0  }
0x1f: {  	s9 =	smul.u32 $0xF7A, s1;
	s8 =	simm.s32 @!p0 $0x1BF5;
	p2 =	por !p2, p0  }
0x20: {  	[sflag:s8] =	ssyncset.s32 @!p0 $0xFFFFF086;
	s6 =	sadd.s32 @!p0 s3, s7;
	s7 =	simm.s32 @!p0 $0x108  }
0x21: {  	s3 =	sadd.s32 s3, s9;
	s6 =	sadd.s32 @!p0 $0x88, s6;
	s7 =	simm.s32 @p2 $0x1082  }
0x22: {  	[simem:s7], [sflag:s8] =	dma.local @!p0 [hbm:s6], $0xF7A  }
0x23: {  	s9 =	sor.u32 $0xD0000000, s2;
	s6 =	simm.s32 $0x108;
	_ =	swait.ge @!p0 [sflag:s8], $0x0  }
0x24: {  	s3 =	sadd.s32 $0x88, s3;
	s6 =	simm.s32 @!p1 $0x1082;
	[sflag:s4] =	ssyncset.s32 $0xFFFFF086  }
0x25: {  	[simem:s6], [sflag:s4] =	dma.local [hbm:s3], $0xF7A  }
0x26: {  	[smem:$0x3F9D] =	sst s1;
	(tag) =	ssettag s2;
	_ =	strace s9  }
0x27: {  	s1 =	sld [smem:$0x3FAD]  }
0x28: {  	s2 =	sld [smem:$0x3FAE]  }
0x29: {  	s4 =	sld [smem:$0x3FB0]  }
0x2a: {  	p0 =	seq.s32 s5, $0x0;
	s5 =	sld [smem:$0x3FB1]  }
0x2b: {  	s6 =	sld [smem:$0x3FB2]  }
0x2c: {  	s7 =	sld [smem:$0x3FB3]  }
0x2d: {  	s3 =	simm.s32 $0x108;
	s8 =	sld [smem:$0x3FB4]  }
0x2e: {  	s3 =	simm.s32 @!p0 $0x1082;
	s9 =	sld [smem:$0x3FB5]  }
0x2f: {  	lr =	sadd.s32 s0, s3;
	s0 =	sld [smem:$0x3FAC]  }
0x30: {  	s3 =	sld [smem:$0x3FAF]  }
0x31: {  	[smem:$0x3FB8] =	sst s10  }
0x32: {  	s10 =	sld [smem:$0x3FB6];
	_ =	sdelay $0x3  }
0x33: {  	p0 =	seq.s32 s10, $0x1;
	s10 =	sld [smem:$0x3FB8];
	_ =	sdelay $0x3  }
0x34: {  	[smem:$0x3FB8] =	sst s10  }
0x35: {  	s10 =	sld [smem:$0x3FB7];
	_ =	sdelay $0x3  }
0x36: {  	p1 =	seq.s32 s10, $0x1;
	s10 =	sld [smem:$0x3FB8];
	_ =	sdelay $0x3  }
0x37: {  	[smem:$0x3FB8] =	sst s10  }
0x38: {  	s10 =	sld [smem:$0x3FB9]  }
0x39: {  	_ = 	snop;
	(pc) =	sbr.ind lr, $3  }
0x3a: {  	_ = 	snop  }
0x3b: {  	_ = 	snop  }
0x3c: {  	p2 =	seq.s32 s10, $0x1;
	s10 =	sld [smem:$0x3FB8]  }
0x3d: {  	_ =	shalt  }
0x3e: {  	_ =	shalt  }
0x3f: {  	_ =	shalt  }
0x40: {  	_ =	shalt  }
0x41: {  	_ =	shalt  }
0x42: {  	_ =	shalt  }
0x43: {  	_ =	shalt  }
0x44: {  	_ =	shalt  }
0x45: {  	_ =	shalt  }
0x46: {  	_ =	shalt  }
0x47: {  	_ =	shalt  }
0x48: {  	_ =	shalt  }
0x49: {  	_ =	shalt  }
0x4a: {  	_ =	shalt  }
0x4b: {  	_ =	shalt  }
0x4c: {  	_ =	shalt  }
0x4d: {  	_ =	shalt  }
0x4e: {  	_ =	shalt  }
0x4f: {  	_ =	shalt  }
0x50: {  	_ =	shalt  }
0x51: {  	_ =	shalt  }
0x52: {  	_ =	shalt  }
0x53: {  	_ =	shalt  }
0x54: {  	_ =	shalt  }
0x55: {  	_ =	shalt  }
0x56: {  	_ =	shalt  }
0x57: {  	_ =	shalt  }
0x58: {  	_ =	shalt  }
0x59: {  	_ =	shalt  }
0x5a: {  	_ =	shalt  }
0x5b: {  	_ =	shalt  }
0x5c: {  	_ =	shalt  }
0x5d: {  	_ =	shalt  }
0x5e: {  	_ =	shalt  }
0x5f: {  	_ =	shalt  }
0x60: {  	_ =	shalt  }
0x61: {  	_ =	shalt  }
0x62: {  	_ =	shalt  }
0x63: {  	_ =	shalt  }
0x64: {  	_ =	shalt  }
0x65: {  	_ =	shalt  }
0x66: {  	_ =	shalt  }
0x67: {  	_ =	shalt  }
0x68: {  	_ =	shalt  }
0x69: {  	_ =	shalt  }
0x6a: {  	_ =	shalt  }
0x6b: {  	_ =	shalt  }
0x6c: {  	_ =	shalt  }
0x6d: {  	_ =	shalt  }
0x6e: {  	_ =	shalt  }
0x6f: {  	_ =	shalt  }
0x70: {  	_ =	shalt  }
0x71: {  	_ =	shalt  }
0x72: {  	_ =	shalt  }
0x73: {  	_ =	shalt  }
0x74: {  	_ =	shalt  }
0x75: {  	_ =	shalt  }
0x76: {  	_ =	shalt  }
0x77: {  	_ =	shalt  }
0x78: {  	_ =	shalt  }
0x79: {  	_ =	shalt  }
0x7a: {  	_ =	shalt  }
0x7b: {  	_ =	shalt  }
0x7c: {  	_ =	shalt  }
0x7d: {  	_ =	shalt  }
0x7e: {  	_ =	shalt  }
0x7f: {  	_ =	shalt  }
0x80: {  	_ =	shalt  }
0x81: {  	_ =	shalt  }
0x82: {  	_ =	shalt  }
0x83: {  	_ =	shalt  }
0x84: {  	_ =	shalt  }
0x85: {  	_ =	shalt  }
0x86: {  	_ =	shalt  }
0x87: {  	_ =	shalt  }
.Lfunc_end0:
.L_simem_size_0:
called_computation_lowered:
.L_overlay_start_0:
0x88: {  	s2 =	sld [smem:$0x3FD9]  }
0x89: {  	s3 =	sld [smem:$0x3FFE];
	_ =	sdelay $0x1  }
0x8a: {  	s1 =	srdreg.scid  }
0x8b: {  	s0 =	sand.u32 $0x1, s1  }
0x8c: {  	s17 =	sshll.u32 s0, $0xA;
	s2 =	sadd.s32 s3, s2  }
0x8d: {  	s2 =	sadd.s32 s2, s17  }
0x8e: {  	[smem:$0x3FC4] =	sst s2  }
0x8f: {  	_ = 	snop  }
0x90: {  	s2 =	sld [smem:$0x3FC9]  }
0x91: {  	s18 =	sld [smem:$0x3FC8]  }
0x92: {  	s4 =	sld [smem:$0x3FD0];
	(tm) =	ssettm $0x1  }
0x93: {  	s5 =	sld [smem:$0x3FFB];
	_ =	sdelay $0x3  }
0x94: {  	_ =	strace s5  }
0x95: {  	s5 =	sld [smem:$0x3FFC];
	_ =	sdelay $0x3  }
0x96: {  	_ =	strace s5  }
0x97: {  	s5 =	sld [smem:$0x3FFD];
	_ =	sdelay $0x3  }
0x98: {  	_ =	strace s5  }
0x99: {  	_ =	strace $0x8FFFFFFF  }
0x9a: {  	s19 =	sld [smem:$0x3FDB];
	_ =	sdelay $0x1  }
0x9b: {  	s6 =	simm.s32 $_scs_section_size  }
0x9c: {  	s7 =	simm.s32 $_size__tile_overlayer_lowered;
	s8 =	simm.s32 $_tile_overlayer_lowered  }
0x9d: {  	s22 =	simm.s32 $0x1BFF;
	s21 =	sshll.u32 s8, $0x1;
	s5 =	sadd.s32 s6, s19  }
0x9e: {  	s9 =	simm.s32 $0x0;
	s20 =	sshll.u32 s7, $0x1;
	s7 =	sadd.s32 s21, s5  }
0x9f: {  	[timem:s9], [sflag:s22] =	dma.local [hbm:s7], s20  }
0xa0: {  	_ =	swait.ge [sflag:s22], s20  }
0xa1: {  	s6 =	ssub.s32 $0x0, s20;
	[sflag:s22] =	ssyncset.done $0x0  }
0xa2: {  	[sflag:s22] =	ssyncadd.s32 s6;
	_ =	sdelay $0x1  }
0xa3: {  	s23 =	simm.s32 $0x1B8B  }
0xa4: {  	_ =	swait.ge [sflag:s23], $0x1  }
0xa5: {  	[sflag:s23] =	ssyncset.done $0x0  }
0xa6: {  	s25 =	simm.s32 $0x1B8E;
	s24 =	sld [smem:$0x3FFE];
	[sflag:s23] =	ssyncadd.s32 $0xFFFFFFFF  }
0xa7: {  	s26 =	simm.s32 $execute0_lowered;
	[smem:$0x3FD2] =	sst s25  }
0xa8: {  	s7 =	sshll.u32 s26, $0x1;
	_ =	strace $0x80000046;
	[dreg:$0x1] =	wrdreg $0xFFFFFFFF  }
0xa9: {  	s28 =	simm.s32 $_size_execute0_lowered;
	s5 =	sadd.s32 s5, s7;
	[dreg:$0x0] =	wrdreg $0x0  }
0xaa: {  	s7 =	sshll.u32 s28, $0x1;
	[dreg:$0x2] =	wrdreg s5  }
0xab: {  	[dreg:$0x3] =	wrdreg s7  }
0xac: {  	[dreg:$0x4] =	wrdreg $0xC0  }
0xad: {  	_ =	task [dreg:s9], $0x5FFFF  }
0xae: {  	[dreg:$0x1] =	wrdreg $0xFFFFFFFF  }
0xaf: {  	[dreg:$0x0] =	wrdreg $0x60  }
0xb0: {  	[dreg:$0x2] =	wrdreg s2  }
0xb1: {  	[dreg:$0x3] =	wrdreg s18  }
0xb2: {  	[dreg:$0x4] =	wrdreg s24  }
0xb3: {  	[dreg:$0x5] =	wrdreg s4  }
0xb4: {  	[dreg:$0x6] =	wrdreg $0x1C200  }
0xb5: {  	[dreg:$0x7] =	wrdreg $0xDFA00  }
0xb6: {  	[dreg:$0x8] =	wrdreg $0x9  }
0xb7: {  	_ =	task.clear_ibuf [dreg:s9], $0x9FFFF;
	_ =	strace $0x90000046  }
0xb8: {  	s29 =	simm.s32 $0x9;
	_ =	strace $0x80000048  }
0xb9: {  	_ =	swait.ge [sflag:s29], $0x1  }
0xba: {  	[sflag:s29] =	ssyncadd.s32 $0xFFFFFFFF  }
0xbb: {  	_ =	strace $0x90000048  }
0xbc: {  	_ =	sfence  }
0xbd: {  	s30 =	sld [smem:$0x0];
	_ =	sdelay $0x2  }
0xbe: {  	s31 =	sshll.u32 s1, $0xD;
	s1 =	sshrl.u32 s1, $0x2  }
0xbf: {  	s3 =	sand.u32 $0x4000, s31;
	s1 =	sadd.s32 s1, s30  }
0xc0: {  	s0 =	sor.u32 s3, s0;
	s1 =	sshll.u32 s1, $0x11  }
0xc1: {  	s0 =	sor.u32 s1, s0  }
0xc2: {  	s0 =	sadd.s32 $0x8F2B, s0  }
0xc3: {  	[sflag:s0] =	ssyncadd.remote.s32 $0x1  }
0xc4: {  	_ =	sfence.sel $0xFFFF  }
0xc5: {  	[dreg:$0x0] =	wrdreg $0xFFFFFFFF;
	(pc) =	sbr.abs _section_cstart, $3  }
0xc6: {  	[dreg:$0x1] =	wrdreg $0xFFFFFFFF  }
0xc7: {  	_ =	task.clear_ibuf [dreg:s9], $0x2FFFF;
	_ =	strace $0x9FFFFFFF  }
0xc8: {  	(tm) =	ssettm $0x7FFFFFFF  }
0xc9: {  	_ =	shalt  }
tec
execute0_lowered:
.L_overlay_start_1:
0x0: {  	(tag) =	ssettag $0x1  }
0x1: {  	s16 =	rddreg [dreg:$0x0]  }
0x2: {  	s0 =	rddreg [dreg:$0x2]  }
0x3: {  	s1 =	rddreg [dreg:$0x3]  }
0x4: {  	s2 =	srdreg.scid;
	s15 =	stileid.u32;
	s4 =	simm.s32 $0x0  }
0x5: {  	s28 =	simm.s32 $0x2D0;
	s29 =	simm.s32 $0x1720;
	s3 =	smul.u32 $0xC380, s15  }
0x6: {  	s2 =	sand.u32 $0x1, s2;
	[smem:$0x7FF] =	sst s4;
	s11 =	smul.u32 $0x186A0, s15  }
0x7: {  	s5 =	sadd.s32 $0x186A600, s0;
	s18 =	sshll.u32 s15, $0x1;
	s17 =	smul.u32 $0xC3800, s2  }
0x8: {  	s7 =	ssub.s32 $0x2, s2;
	s8 =	sor.u32 s2, s18;
	s2 =	smul.u32 $0xC350, s2  }
0x9: {  	s6 =	sadd.s32 $0x600, s0;
	s20 =	sshrl.u32 s7, $0x1;
	s22 =	smul.u32 $0x186A0, s8  }
0xa: {  	s10 =	smul.u32 $0xC350, s8;
	s19 =	sadd.s32 s3, s17;
	s0 =	ssub.s32 s7, s20  }
0xb: {  	s2 =	sadd.s32 s2, s11;
	s9 =	sshrl.u32 s19, $0x3;
	s7 =	sadd.s32 s5, s22  }
0xc: {  	s8 =	sadd.s32 $0xA0, s10;
	s12 =	sadd.s32 $0xF0, s10;
	s13 =	sadd.s32 $0x140, s10  }
0xd: {  	s21 =	sadd.s32 $0x30E00, s9;
	s23 =	sadd.s32 s1, s9;
	[dreg:$0x9] =	wrdreg s7  }
0xe: {  	s25 =	sshll.u32 s8, $0x1;
	s11 =	sadd.s32 s6, s9;
	[dreg:$0x7] =	wrdreg s23  }
0xf: {  	s14 =	sshll.u32 s13, $0x1;
	s1 =	sadd.s32 s1, s21;
	[dreg:$0xe] =	wrdreg s11  }
0x10: {  	s31 =	sadd.s32 s5, s14;
	[dreg:$0x8] =	wrdreg s1;
	s1 =	sadd.s32 $0x50, s10  }
0x11: {  	s4 =	sadd.s32 s6, s21;
	[dreg:$0xd] =	wrdreg s31;
	s24 =	sshll.u32 s1, $0x1  }
0x12: {  	s26 =	sshll.u32 s12, $0x1;
	[dreg:$0xf] =	wrdreg s4;
	s7 =	sadd.s32 s5, s24  }
0x13: {  	s9 =	sadd.s32 $0x280, s2;
	[dreg:$0xa] =	wrdreg s7;
	s7 =	sadd.s32 s5, s25  }
0x14: {  	s17 =	sshll.u32 s9, $0x1;
	[dreg:$0xb] =	wrdreg s7;
	s7 =	sadd.s32 s5, s26  }
0x15: {  	s21 =	sadd.s32 $0x190, s2;
	[dreg:$0xc] =	wrdreg s7;
	s7 =	sadd.s32 $0x2D0, s2  }
0x16: {  	s18 =	sadd.s32 s17, s5;
	s17 =	rddreg [dreg:$0x4];
	s14 =	sshll.u32 s7, $0x1  }
0x17: {  	s30 =	simm.s32 $0x0;
	[dreg:$0x14] =	wrdreg s21;
	s4 =	sadd.s32 s14, s5  }
0x18: {  	s22 =	sshll.u32 s15, $0x6;
	[dreg:$0x10] =	wrdreg s4;
	s4 =	sadd.s32 $0x230, s2  }
0x19: {  	s11 =	sadd.s32 $0x1E0, s2;
	[dreg:$0x11] =	wrdreg s18;
	s19 =	sshll.u32 s4, $0x1  }
0x1a: {  	s20 =	sshll.u32 s11, $0x1;
	s14 =	rddreg [dreg:$0x1];
	s6 =	sadd.s32 s19, s5  }
0x1b: {  	s0 =	smax.u32 s0, $0x1;
	[dreg:$0x12] =	wrdreg s6;
	s6 =	sadd.s32 s20, s5  }
0x1c: {  	s15 =	sor.u32 $0x1C0B, s22;
	[dreg:$0x13] =	wrdreg s6;
	s6 =	sshll.u32 s21, $0x1  }
0x1d: {  	s13 =	sshrl.u32 s13, $0x3;
	s20 =	rddreg [dreg:$0x5];
	s5 =	sadd.s32 s6, s5  }
0x1e: {  	s23 =	sadd.s32 s3, s17;
	s25 =	sshrl.u32 s10, $0x3;
	[dreg:$0x15] =	wrdreg s5  }
0x1f: {  	s24 =	sadd.s32 s3, s20;
	_ =	strace $0x80000047;
	[dreg:$0x17] =	wrdreg s23  }
0x20: {  	s1 =	sshrl.u32 s1, $0x3;
	s26 =	sadd.s32 s16, s25;
	[dreg:$0x18] =	wrdreg s24  }
0x21: {  	s18 =	sadd.s32 s16, s13;
	s2 =	sadd.s32 s14, s25;
	[dreg:$0x19] =	wrdreg s26  }
0x22: {  	s31 =	sadd.s32 s16, s1;
	s10 =	sshrl.u32 s12, $0x3;
	[dreg:$0x1a] =	wrdreg s2  }
0x23: {  	s1 =	sadd.s32 s14, s1;
	s3 =	sshrl.u32 s8, $0x3;
	[dreg:$0x1b] =	wrdreg s31  }
0x24: {  	s12 =	sadd.s32 s16, s10;
	s5 =	sadd.s32 s16, s3;
	[dreg:$0x1c] =	wrdreg s1  }
0x25: {  	s25 =	sshrl.u32 s11, $0x3;
	s11 =	simm.s32 $0xA0;
	[dreg:$0x1d] =	wrdreg s5  }
0x26: {  	s19 =	sshrl.u32 s7, $0x3;
	s7 =	simm.s32 $0x1E0;
	[dreg:$0x1f] =	wrdreg s12  }
0x27: {  	s22 =	sadd.s32 s19, s14;
	s8 =	smov.u32 s16;
	[smem:$0x7F3] =	sst s18  }
0x28: {  	s21 =	sshrl.u32 s9, $0x3;
	s9 =	simm.s32 $0x190;
	[smem:$0x7F5] =	sst s0  }
0x29: {  	s6 =	simm.s32 $0x0;
	s1 =	sadd.s32 s14, s3;
	[smem:$0x7F6] =	sst s22  }
0x2a: {  	s23 =	sshrl.u32 s4, $0x3;
	s24 =	sadd.s32 s21, s14;
	s0 =	sadd.s32 s21, s16  }
0x2b: {  	s31 =	sadd.s32 s25, s14;
	s2 =	simm.s32 $0xB;
	[dreg:$0x16] =	wrdreg s15  }
0x2c: {  	s3 =	simm.s32 $0x320;
	s12 =	simm.s32 $0x230;
	[dreg:$0x1e] =	wrdreg s1  }
0x2d: {  	s21 =	simm.s32 $0x280;
	s4 =	simm.s32 $0x1;
	[smem:$0x7F8] =	sst s24  }
0x2e: {  	s5 =	simm.s32 $0x2;
	s22 =	simm.s32 $0x3;
	[smem:$0x7F9] =	sst s0  }
0x2f: {  	s18 =	simm.s32 $0x8;
	s1 =	sadd.s32 s14, s10;
	[smem:$0x7FC] =	sst s31  }
0x30: {  	s26 =	sadd.s32 s23, s14;
	s0 =	sadd.s32 s25, s16;
	[smem:$0x7F2] =	sst s1  }
0x31: {  	s10 =	simm.s32 $0x820;
	s25 =	simm.s32 $0x1220;
	[smem:$0x7FA] =	sst s26  }
0x32: {  	s24 =	simm.s32 $0xA;
	s1 =	sadd.s32 s14, s13;
	[smem:$0x7FD] =	sst s0  }
0x33: {  	s13 =	simm.s32 $0xD20;
	s26 =	simm.s32 $0x140;
	s14 =	simm.s32 $0x6  }
0x34: {  	[smem:$0x7F4] =	sst s1;
	s1 =	sadd.s32 s19, s16;
	s19 =	simm.s32 $0xF0  }
0x35: {  	[smem:$0x7F7] =	sst s1;
	s1 =	sadd.s32 s23, s16;
	s23 =	simm.s32 $0x50  }
0x36: {  	s16 =	simm.s32 $0x4;
	[smem:$0x7FB] =	sst s1;
	s1 =	simm.s32 $0x5  }
.LBB2_1:
0x37: {  	[smem:$0x7EF] =	sst s30  }
0x38: {  	s0 =	rddreg [dreg:$0x17]  }
0x39: {  	s30 =	sshrl.u32 s0, $0x3;
	s0 =	rddreg [dreg:$0x7]  }
0x3a: {  	[smem:$0x7F0] =	sst s30  }
0x3b: {  	[spmem:s30], [sflag:s15] =	dma.local [hbm:s0], $0x1870  }
0x3c: {  	_ =	swait.ge [sflag:s2], $0x1870  }
0x3d: {  	s0 =	rddreg [dreg:$0x18]  }
0x3e: {  	[sflag:s2] =	ssyncset.done $0x0;
	s30 =	sshrl.u32 s0, $0x3;
	s0 =	rddreg [dreg:$0x8]  }
0x3f: {  	[sflag:s2] =	ssyncadd.s32 $0xFFFFE790;
	[smem:$0x7F1] =	sst s30  }
0x40: {  	[spmem:s30], [sflag:s15] =	dma.local [hbm:s0], $0x1870  }
0x41: {  	_ =	swait.ge [sflag:s2], $0x1870  }
0x42: {  	[sflag:s2] =	ssyncset.done $0x0  }
0x43: {  	[sflag:s2] =	ssyncadd.s32 $0xFFFFE790  }
0x44: {  	[bflag:$0x0] =	sbarrier.arrive $0xFFFF  }
0x45: {  	s15 =	rddreg [dreg:$0x19]  }
0x46: {  	s2 =	rddreg [dreg:$0x1a]  }
0x47: {  	s30 =	rddreg [dreg:$0x12]  }
0x48: {  	s31 =	sld [smem:$0x7FD]  }
0x49: {  	[tilespmem:s6], [sflag:$0x1] =	stream.linear.gather [hbm4b:s15+s6], $0x50, $0x38;
	[tilespmem:$0x1A320] =	vst v63  }
0x4a: {  	s15 =	rddreg [dreg:$0x9]  }
0x4b: {  	[tilespmem:s9], [sflag:$0x1] =	stream.linear.gather [hbm4b:s2+s6], $0x50, $0x38;
	[tilespmem:$0x1A320] =	vst v63  }
0x4c: {  	s2 =	rddreg [dreg:$0x1b]  }
0x4d: {  	[tilespmem:s3], [sflag:$0x1] =	stream.linear.gather [hbm4b:s15+s6], $0x500, $0x38;
	[tilespmem:$0x1A320] =	vst v63  }
0x4e: {  	s3 =	rddreg [dreg:$0x1c]  }
0x4f: {  	s15 =	sld [smem:$0x7F2]  }
0x50: {  	[tilespmem:s23], [sflag:$0x2] =	stream.linear.gather [hbm4b:s2+s6], $0x50, $0x38;
	[tilespmem:$0x1A320] =	vst v63  }
0x51: {  	s2 =	rddreg [dreg:$0x10]  }
0x52: {  	[tilespmem:s7], [sflag:$0x2] =	stream.linear.gather [hbm4b:s3+s6], $0x50, $0x38;
	[tilespmem:$0x1A320] =	vst v63  }
0x53: {  	s7 =	rddreg [dreg:$0xa]  }
0x54: {  	[tilespmem:s10], [sflag:$0x2] =	stream.linear.gather [hbm4b:s7+s6], $0x500, $0x38;
	[tilespmem:$0x1A320] =	vst v63  }
0x55: {  	s10 =	rddreg [dreg:$0x1d]  }
0x56: {  	[tilespmem:s11], [sflag:$0x3] =	stream.linear.gather [hbm4b:s10+s6], $0x50, $0x38;
	[tilespmem:$0x1A320] =	vst v63  }
0x57: {  	s11 =	rddreg [dreg:$0x1e]  }
0x58: {  	s10 =	sld [smem:$0x7F6]  }
0x59: {  	[tilespmem:s12], [sflag:$0x3] =	stream.linear.gather [hbm4b:s11+s6], $0x50, $0x38;
	[tilespmem:$0x1A320] =	vst v63  }
0x5a: {  	s12 =	rddreg [dreg:$0xb]  }
0x5b: {  	s11 =	sld [smem:$0x7F7]  }
0x5c: {  	[tilespmem:s13], [sflag:$0x3] =	stream.linear.gather [hbm4b:s12+s6], $0x500, $0x38;
	[tilespmem:$0x1A320] =	vst v63  }
0x5d: {  	s13 =	rddreg [dreg:$0x1f]  }
0x5e: {  	s12 =	sld [smem:$0x7F8]  }
0x5f: {  	[tilespmem:s19], [sflag:$0x4] =	stream.linear.gather [hbm4b:s13+s6], $0x50, $0x38;
	[tilespmem:$0x1A320] =	vst v63  }
0x60: {  	s19 =	rddreg [dreg:$0xc]  }
0x61: {  	s13 =	sld [smem:$0x7F9]  }
0x62: {  	[tilespmem:s21], [sflag:$0x4] =	stream.linear.gather [hbm4b:s15+s6], $0x50, $0x38;
	[tilespmem:$0x1A320] =	vst v63  }
0x63: {  	s21 =	sld [smem:$0x7F3]  }
0x64: {  	s15 =	rddreg [dreg:$0x11]  }
0x65: {  	[tilespmem:s25], [sflag:$0x4] =	stream.linear.gather [hbm4b:s19+s6], $0x500, $0x38;
	[tilespmem:$0x1A320] =	vst v63  }
0x66: {  	s25 =	sld [smem:$0x7F4]  }
0x67: {  	s19 =	rddreg [dreg:$0x14]  }
0x68: {  	[tilespmem:s26], [sflag:$0x5] =	stream.linear.gather [hbm4b:s21+s6], $0x50, $0x38;
	[tilespmem:$0x1A320] =	vst v63  }
0x69: {  	s26 =	rddreg [dreg:$0xd]  }
0x6a: {  	s21 =	sld [smem:$0x7FA]  }
0x6b: {  	[tilespmem:s28], [sflag:$0x5] =	stream.linear.gather [hbm4b:s25+s6], $0x50, $0x38;
	[tilespmem:$0x1A320] =	vst v63  }
0x6c: {  	s25 =	sld [smem:$0x7FB]  }
0x6d: {  	s28 =	sld [smem:$0x7FC]  }
0x6e: {  	[tilespmem:s29], [sflag:$0x5] =	stream.linear.gather [hbm4b:s26+s6], $0x500, $0x38;
	[tilespmem:$0x1A320] =	vst v63  }
0x6f: {  	s26 =	rddreg [dreg:$0x15]  }
0x70: {  	s0 =	simm.s32 $0x0;
	s3 =	simm.s32 $0x1220;
	s29 =	rddreg [dreg:$0x13]  }
.LBB2_2:
0x71: {  	_ =	swait.ge [sflag:s4], $0x50  }
0x72: {  	[sflag:s4] =	ssyncset.done $0x0  }
0x73: {  	[sflag:s4] =	ssyncadd.s32 $0xFFFFFFB0  }
0x74: {  	_ =	swait.ge [sflag:s4], $0x50  }
0x75: {  	[sflag:s4] =	ssyncset.done $0x0  }
0x76: {  	[sflag:s4] =	ssyncadd.s32 $0xFFFFFFB0  }
0x77: {  	_ =	swait.ge [sflag:s4], $0x500  }
0x78: {  	[sflag:s4] =	ssyncset.done $0x0  }
0x79: {  	s7 =	simm.s32 $0x320;
	[sflag:s4] =	ssyncadd.s32 $0xFFFFFB00  }
0x7a: {  	[spmem:s17] =	stream.indirect.scatter.add.f32 [tilespmem:s7], [sflag:$0x6], $0x10, s6, s23, $0xb8;
	[tilespmem:$0x1A320] =	vst v63  }
0x7b: {  	_ = 	snop  }
0x7c: {  	[spmem:s20] =	stream.indirect.scatter.add.f32 [tilespmem:s7], [sflag:$0x6], $0x10, s9, s23, $0xb8;
	[tilespmem:$0x1A320] =	vst v63  }
0x7d: {  	_ =	swait.ge [sflag:s5], $0x50  }
0x7e: {  	[sflag:s5] =	ssyncset.done $0x0  }
0x7f: {  	[sflag:s5] =	ssyncadd.s32 $0xFFFFFFB0  }
0x80: {  	_ =	swait.ge [sflag:s5], $0x50  }
0x81: {  	[sflag:s5] =	ssyncset.done $0x0  }
0x82: {  	[sflag:s5] =	ssyncadd.s32 $0xFFFFFFB0  }
0x83: {  	_ =	swait.ge [sflag:s5], $0x500  }
0x84: {  	[sflag:s5] =	ssyncset.done $0x0  }
0x85: {  	s6 =	simm.s32 $0x820;
	[sflag:s5] =	ssyncadd.s32 $0xFFFFFB00  }
0x86: {  	[spmem:s17] =	stream.indirect.scatter.add.f32 [tilespmem:s6], [sflag:$0x7], $0x10, s23, s23, $0xb8;
	[tilespmem:$0x1A320] =	vst v63  }
0x87: {  	s9 =	simm.s32 $0x1E0  }
0x88: {  	[spmem:s20] =	stream.indirect.scatter.add.f32 [tilespmem:s6], [sflag:$0x7], $0x10, s9, s23, $0xb8;
	[tilespmem:$0x1A320] =	vst v63  }
0x89: {  	_ =	swait.ge [sflag:s22], $0x50  }
0x8a: {  	[sflag:s22] =	ssyncset.done $0x0  }
0x8b: {  	[sflag:s22] =	ssyncadd.s32 $0xFFFFFFB0  }
0x8c: {  	_ =	swait.ge [sflag:s22], $0x50  }
0x8d: {  	[sflag:s22] =	ssyncset.done $0x0  }
0x8e: {  	[sflag:s22] =	ssyncadd.s32 $0xFFFFFFB0  }
0x8f: {  	_ =	swait.ge [sflag:s22], $0x500  }
0x90: {  	[sflag:s22] =	ssyncset.done $0x0  }
0x91: {  	s7 =	simm.s32 $0xD20;
	s9 =	simm.s32 $0xA0;
	[sflag:s22] =	ssyncadd.s32 $0xFFFFFB00  }
0x92: {  	[spmem:s17] =	stream.indirect.scatter.add.f32 [tilespmem:s7], [sflag:$0x8], $0x10, s9, s23, $0xb8;
	[tilespmem:$0x1A320] =	vst v63  }
0x93: {  	s9 =	simm.s32 $0x230  }
0x94: {  	[spmem:s20] =	stream.indirect.scatter.add.f32 [tilespmem:s7], [sflag:$0x8], $0x10, s9, s23, $0xb8;
	[tilespmem:$0x1A320] =	vst v63  }
0x95: {  	_ =	swait.ge [sflag:s16], $0x50  }
0x96: {  	[sflag:s16] =	ssyncset.done $0x0  }
0x97: {  	[sflag:s16] =	ssyncadd.s32 $0xFFFFFFB0  }
0x98: {  	_ =	swait.ge [sflag:s16], $0x50  }
0x99: {  	[sflag:s16] =	ssyncset.done $0x0  }
0x9a: {  	[sflag:s16] =	ssyncadd.s32 $0xFFFFFFB0  }
0x9b: {  	_ =	swait.ge [sflag:s16], $0x500  }
0x9c: {  	[sflag:s16] =	ssyncset.done $0x0  }
0x9d: {  	s9 =	simm.s32 $0xF0;
	[sflag:s16] =	ssyncadd.s32 $0xFFFFFB00  }
0x9e: {  	[spmem:s17] =	stream.indirect.scatter.add.f32 [tilespmem:s3], [sflag:$0x9], $0x10, s9, s23, $0xb8;
	[tilespmem:$0x1A320] =	vst v63  }
0x9f: {  	s7 =	simm.s32 $0x280  }
0xa0: {  	[spmem:s20] =	stream.indirect.scatter.add.f32 [tilespmem:s3], [sflag:$0x9], $0x10, s7, s23, $0xb8;
	[tilespmem:$0x1A320] =	vst v63  }
0xa1: {  	_ =	swait.ge [sflag:s1], $0x50  }
0xa2: {  	[sflag:s1] =	ssyncset.done $0x0  }
0xa3: {  	[sflag:s1] =	ssyncadd.s32 $0xFFFFFFB0  }
0xa4: {  	_ =	swait.ge [sflag:s1], $0x50  }
0xa5: {  	[sflag:s1] =	ssyncset.done $0x0  }
0xa6: {  	[sflag:s1] =	ssyncadd.s32 $0xFFFFFFB0  }
0xa7: {  	_ =	swait.ge [sflag:s1], $0x500  }
0xa8: {  	[sflag:s1] =	ssyncset.done $0x0  }
0xa9: {  	s9 =	simm.s32 $0x140;
	s7 =	simm.s32 $0x1720;
	[sflag:s1] =	ssyncadd.s32 $0xFFFFFB00  }
0xaa: {  	[spmem:s17] =	stream.indirect.scatter.add.f32 [tilespmem:s7], [sflag:$0xA], $0x10, s9, s23, $0xb8;
	[tilespmem:$0x1A320] =	vst v63  }
0xab: {  	s9 =	simm.s32 $0x2D0  }
0xac: {  	[spmem:s20] =	stream.indirect.scatter.add.f32 [tilespmem:s7], [sflag:$0xA], $0x10, s9, s23, $0xb8;
	[tilespmem:$0x1A320] =	vst v63  }
0xad: {  	_ =	swait.ge [sflag:s14], $0x500  }
0xae: {  	[sflag:s14] =	ssyncset.done $0x0  }
0xaf: {  	[sflag:s14] =	ssyncadd.s32 $0xFFFFFB00  }
0xb0: {  	_ =	swait.ge [sflag:s14], $0x500  }
0xb1: {  	p0 =	seq.s32 s0, $0x1838;
	[sflag:s14] =	ssyncset.done $0x0  }
0xb2: {  	s6 =	simm.s32 @p0 $0x7;
	[sflag:s14] =	ssyncadd.s32 $0xFFFFFB00  }
0xb3: {  	_ =	swait.ge @p0 [sflag:s6], $0x500  }
0xb4: {  	[sflag:s6] =	ssyncset.done @p0 $0x0  }
0xb5: {  	[sflag:s6] =	ssyncadd.s32 @p0 $0xFFFFFB00  }
0xb6: {  	_ =	swait.ge @p0 [sflag:s6], $0x500  }
0xb7: {  	s7 =	sshrl.u32 @!p0 s19, $0x3;
	s9 =	smov.u32 s8;
	[sflag:s6] =	ssyncset.done @p0 $0x0  }
0xb8: {  	s8 =	sadd.s32 @!p0 s8, s7;
	[sflag:s6] =	ssyncadd.s32 @p0 $0xFFFFFB00;
	s6 =	simm.s32 @!p0 $0x0  }
0xb9: {  	[tilespmem:s6], [sflag:$0x1] =	stream.linear.gather @!p0 [hbm4b:s8+s6], $0x50, $0x38;
	[tilespmem:$0x1A320] =	vst v63  }
0xba: {  	s8 =	rddreg [dreg:$0x1]  }
0xbb: {  	s7 =	sadd.s32 @!p0 s8, s7;
	s8 =	simm.s32 @!p0 $0x190  }
0xbc: {  	[tilespmem:s8], [sflag:$0x1] =	stream.linear.gather @!p0 [hbm4b:s7+s6], $0x50, $0x38;
	[tilespmem:$0x1A320] =	vst v63  }
0xbd: {  	s7 =	simm.s32 @!p0 $0x320  }
0xbe: {  	[tilespmem:s7], [sflag:$0x1] =	stream.linear.gather @!p0 [hbm4b:s26+s6], $0x500, $0x38;
	[tilespmem:$0x1A320] =	vst v63  }
0xbf: {  	s7 =	simm.s32 @!p0 $0x7  }
0xc0: {  	_ =	swait.ge @!p0 [sflag:s7], $0x500  }
0xc1: {  	[sflag:s7] =	ssyncset.done @!p0 $0x0  }
0xc2: {  	[sflag:s7] =	ssyncadd.s32 @!p0 $0xFFFFFB00  }
0xc3: {  	_ =	swait.ge @!p0 [sflag:s7], $0x500  }
0xc4: {  	[sflag:s7] =	ssyncset.done @!p0 $0x0  }
0xc5: {  	s8 =	simm.s32 @!p0 $0x50;
	[sflag:s7] =	ssyncadd.s32 @!p0 $0xFFFFFB00;
	s7 =	sadd.s32 @!p0 s0, s31  }
0xc6: {  	[tilespmem:s8], [sflag:$0x2] =	stream.linear.gather @!p0 [hbm4b:s7+s6], $0x50, $0x38;
	[tilespmem:$0x1A320] =	vst v63  }
0xc7: {  	s7 =	sadd.s32 @!p0 s0, s28;
	s8 =	simm.s32 @!p0 $0x1E0  }
0xc8: {  	[tilespmem:s8], [sflag:$0x2] =	stream.linear.gather @!p0 [hbm4b:s7+s6], $0x50, $0x38;
	[tilespmem:$0x1A320] =	vst v63  }
0xc9: {  	s7 =	simm.s32 @!p0 $0x820  }
0xca: {  	[tilespmem:s7], [sflag:$0x2] =	stream.linear.gather @!p0 [hbm4b:s29+s6], $0x500, $0x38;
	[tilespmem:$0x1A320] =	vst v63  }
0xcb: {  	_ =	swait.ge [sflag:s18], $0x500  }
0xcc: {  	[sflag:s18] =	ssyncset.done $0x0  }
0xcd: {  	[sflag:s18] =	ssyncadd.s32 $0xFFFFFB00  }
0xce: {  	_ =	swait.ge [sflag:s18], $0x500  }
0xcf: {  	[sflag:s18] =	ssyncset.done $0x0  }
0xd0: {  	s7 =	simm.s32 @p0 $0x9;
	[sflag:s18] =	ssyncadd.s32 $0xFFFFFB00  }
0xd1: {  	_ =	swait.ge @p0 [sflag:s7], $0x500  }
0xd2: {  	[sflag:s7] =	ssyncset.done @p0 $0x0  }
0xd3: {  	[sflag:s7] =	ssyncadd.s32 @p0 $0xFFFFFB00  }
0xd4: {  	_ =	swait.ge @p0 [sflag:s7], $0x500  }
0xd5: {  	[sflag:s7] =	ssyncset.done @p0 $0x0  }
0xd6: {  	s8 =	simm.s32 @!p0 $0xA0;
	[sflag:s7] =	ssyncadd.s32 @p0 $0xFFFFFB00;
	s7 =	sadd.s32 @!p0 s0, s25  }
0xd7: {  	[tilespmem:s8], [sflag:$0x3] =	stream.linear.gather @!p0 [hbm4b:s7+s6], $0x50, $0x38;
	[tilespmem:$0x1A320] =	vst v63  }
0xd8: {  	s7 =	sadd.s32 @!p0 s0, s21;
	s8 =	simm.s32 @!p0 $0x230  }
0xd9: {  	[tilespmem:s8], [sflag:$0x3] =	stream.linear.gather @!p0 [hbm4b:s7+s6], $0x50, $0x38;
	[tilespmem:$0x1A320] =	vst v63  }
0xda: {  	s7 =	simm.s32 @!p0 $0xD20  }
0xdb: {  	[tilespmem:s7], [sflag:$0x3] =	stream.linear.gather @!p0 [hbm4b:s30+s6], $0x500, $0x38;
	[tilespmem:$0x1A320] =	vst v63  }
0xdc: {  	s7 =	simm.s32 @!p0 $0x9  }
0xdd: {  	_ =	swait.ge @!p0 [sflag:s7], $0x500  }
0xde: {  	[sflag:s7] =	ssyncset.done @!p0 $0x0  }
0xdf: {  	[sflag:s7] =	ssyncadd.s32 @!p0 $0xFFFFFB00  }
0xe0: {  	_ =	swait.ge @!p0 [sflag:s7], $0x500  }
0xe1: {  	[sflag:s7] =	ssyncset.done @!p0 $0x0  }
0xe2: {  	s8 =	simm.s32 @!p0 $0xF0;
	[sflag:s7] =	ssyncadd.s32 @!p0 $0xFFFFFB00;
	s7 =	sadd.s32 @!p0 s0, s13  }
0xe3: {  	[tilespmem:s8], [sflag:$0x4] =	stream.linear.gather @!p0 [hbm4b:s7+s6], $0x50, $0x38;
	[tilespmem:$0x1A320] =	vst v63  }
0xe4: {  	s7 =	sadd.s32 @!p0 s0, s12;
	s8 =	simm.s32 @!p0 $0x280  }
0xe5: {  	[tilespmem:s8], [sflag:$0x4] =	stream.linear.gather @!p0 [hbm4b:s7+s6], $0x50, $0x38;
	[tilespmem:$0x1A320] =	vst v63  }
0xe6: {  	s7 =	simm.s32 @!p0 $0x1220  }
0xe7: {  	[tilespmem:s7], [sflag:$0x4] =	stream.linear.gather @!p0 [hbm4b:s15+s6], $0x500, $0x38;
	[tilespmem:$0x1A320] =	vst v63  }
0xe8: {  	_ =	swait.ge [sflag:s24], $0x500  }
0xe9: {  	[sflag:s24] =	ssyncset.done $0x0  }
0xea: {  	[sflag:s24] =	ssyncadd.s32 $0xFFFFFB00  }
0xeb: {  	_ =	swait.ge [sflag:s24], $0x500  }
0xec: {  	[sflag:s24] =	ssyncset.done $0x0  }
0xed: {  	s8 =	simm.s32 @!p0 $0x140;
	s7 =	sadd.s32 @!p0 s0, s11;
	[sflag:s24] =	ssyncadd.s32 $0xFFFFFB00  }
0xee: {  	[tilespmem:s8], [sflag:$0x5] =	stream.linear.gather @!p0 [hbm4b:s7+s6], $0x50, $0x38;
	[tilespmem:$0x1A320] =	vst v63  }
0xef: {  	s7 =	sadd.s32 @!p0 s0, s10;
	s0 =	sadd.s32 @!p0 $0x32, s0  }
0xf0: {  	s19 =	sadd.s32 @!p0 $0x190, s19;
	p1 =	sne.s32 @!p0 s0, $0x186A  }
0xf1: {  	s26 =	sadd.s32 @!p0 $0x320, s26;
	s29 =	sadd.s32 @!p0 $0x320, s29;
	p1 =	por p0, !p1  }
.Ltmp0:
0xf2: {  	s30 =	sadd.s32 @!p0 $0x320, s30;
	s8 =	simm.s32 @!p0 $0x2D0;
	(pc) =	sbr.rel @!p1 .LBB2_2-.Ltmp0, $4  }
0xf3: {  	[tilespmem:s8], [sflag:$0x5] =	stream.linear.gather @!p0 [hbm4b:s7+s6], $0x50, $0x38;
	[tilespmem:$0x1A320] =	vst v63  }
0xf4: {  	s15 =	sadd.s32 @!p0 $0x320, s15;
	s8 =	smov.u32 s9;
	s7 =	simm.s32 @!p0 $0x1720  }
0xf5: {  	[tilespmem:s7], [sflag:$0x5] =	stream.linear.gather @!p0 [hbm4b:s2+s6], $0x500, $0x38;
	[tilespmem:$0x1A320] =	vst v63  }
0xf6: {  	s9 =	simm.s32 $0x190;
	s6 =	simm.s32 $0x0;
	s2 =	sadd.s32 @!p0 $0x320, s2  }
0xf7: {  	[bflag:$0x0] =	sbarrier.arrive $0xFFFF  }
0xf8: {  	s2 =	sld [smem:$0x7F0]  }
0xf9: {  	s0 =	rddreg [dreg:$0xe]  }
0xfa: {  	s15 =	rddreg [dreg:$0x16]  }
0xfb: {  	[hbm:s0], [sflag:s15] =	dma.local [spmem:s2], $0x1870  }
0xfc: {  	s2 =	simm.s32 $0xB  }
0xfd: {  	_ =	swait.ge [sflag:s2], $0x1870  }
0xfe: {  	s3 =	sld [smem:$0x7F1]  }
0xff: {  	[sflag:s2] =	ssyncset.done $0x0  }
0x100: {  	s26 =	rddreg [dreg:$0xf];
	[sflag:s2] =	ssyncadd.s32 $0xFFFFE790  }
0x101: {  	[hbm:s26], [sflag:s15] =	dma.local [spmem:s3], $0x1870  }
0x102: {  	_ =	swait.ge [sflag:s2], $0x1870  }
0x103: {  	s30 =	sld [smem:$0x7EF]  }
0x104: {  	s31 =	sld [smem:$0x7F5];
	_ =	sdelay $0x1  }
0x105: {  	s30 =	sadd.s32 $0x1, s30  }
0x106: {  	p0 =	sne.s32 s30, s31  }
.Ltmp1:
0x107: {  	s7 =	simm.s32 $0x1E0;
	s10 =	simm.s32 $0x820;
	(pc) =	sbr.rel @p0 .LBB2_1-.Ltmp1, $4  }
0x108: {  	s11 =	simm.s32 $0xA0;
	s12 =	simm.s32 $0x230;
	s13 =	simm.s32 $0xD20  }
0x109: {  	s19 =	simm.s32 $0xF0;
	s21 =	simm.s32 $0x280;
	s25 =	simm.s32 $0x1220  }
0x10a: {  	s28 =	simm.s32 $0x2D0;
	s29 =	simm.s32 $0x1720;
	[sflag:s2] =	ssyncset.done $0x0  }
0x10b: {  	s3 =	simm.s32 $0x320;
	s26 =	simm.s32 $0x140;
	[sflag:s2] =	ssyncadd.s32 $0xFFFFE790  }
0x10c: {  	_ =	sfence.sel $0x180000  }
0x10d: {  	[bflag:$0x0] =	sbarrier.arrive $0xFFFF  }
0x10e: {  	_ =	strace $0x90000047  }
0x10f: {  	s0 =	stileid.u32;
	[bflag:$0x2] =	sbarrier.arrive $0xFFFF  }
0x110: {  	p0 =	sne.s32 s0, $0x0;
	s0 =	rddreg [dreg:$0x6]  }
0x111: {  	s0 =	sadd.s32 @!p0 $0x100000, s0  }
0x112: {  	[sflag:s0] =	ssyncadd.tile.s32 @!p0 $0x1;
	_ =	shalt  }
.Lfunc_end2:
_tile_overlayer_lowered:
.L_overlay_start_2:
0x113: {  	(tag) =	ssettag $0x2  }
0x114: {  	s0 =	rddreg [dreg:$0x0];
	s2 =	stileid.u32  }
0x115: {  	s1 =	rddreg [dreg:$0x1];
	p0 =	sne.s32 s2, $0x0  }
0x116: {  	s3 =	rddreg [dreg:$0x2];
	[bflag:$0x3] =	sbarrier.arrive $0xFFFF;
	s2 =	simm.s32 @!p0 $0x1C0B  }
0x117: {  	[timem:s3], [sflag:s2] =	dma.local @!p0 [hbm:s0], s1  }
0x118: {  	s0 =	simm.s32 @!p0 $0xB  }
0x119: {  	_ =	swait.ge @!p0 [sflag:s0], s1  }
0x11a: {  	s1 =	ssub.s32 @!p0 $0x0, s1;
	[sflag:s0] =	ssyncset.done @!p0 $0x0  }
0x11b: {  	[sflag:s0] =	ssyncadd.s32 @!p0 s1  }
0x11c: {  	[bflag:$0x3] =	sbarrier.arrive $0xFFFF  }
0x11d: {  	_ =	shalt  }

</sc_bundles>
